<compile_context>
chip_gen: v7x
topology: tpu7x:2x2x1
jax: 0.10.2.dev20260603
libtpu: 0.0.44.dev20260713+nightly
codegen_flags: <defaults>
</compile_context>

<pallas_src>
import functools

import jax
import jax.numpy as jnp
from jax import lax
from jax.experimental import pallas as pl
from jax.experimental.pallas import tpu as pltpu
from jax.experimental.pallas import tpu_sc as plsc

NC = 2
NS = 16
NW = NC * NS
LANES = 16


def _sc_hist(dst, n_nodes):
    (E,) = dst.shape
    epw = E // NW
    assert E % NW == 0 and epw % LANES == 0

    mesh = plsc.VectorSubcoreMesh(core_axis_name="c", subcore_axis_name="s",
                                  num_cores=NC, num_subcores=NS)

    @functools.partial(
        pl.kernel,
        mesh=mesh,
        out_type=jax.ShapeDtypeStruct((NW * n_nodes,), jnp.float32),
        compiler_params=pltpu.CompilerParams(needs_layout_passes=False),
        scratch_types=[
            pltpu.VMEM((epw,), jnp.int32),
            pltpu.VMEM((n_nodes,), jnp.float32),
        ],
    )
    def hist_kernel(dst_hbm, out_hbm, dst_v, hist_v):
        c = lax.axis_index("c")
        s = lax.axis_index("s")
        wid = c * NS + s
        pltpu.sync_copy(dst_hbm.at[pl.ds(wid * epw, epw)], dst_v)

        zeros = jnp.zeros((LANES,), jnp.float32)

        def zero_body(i, _):
            hist_v[pl.ds(i * LANES, LANES)] = zeros
            return 0

        lax.fori_loop(0, n_nodes // LANES, zero_body, 0)

        ones = jnp.ones((LANES,), jnp.float32)

        def acc_body(i, _):
            idx = dst_v[pl.ds(i * LANES, LANES)]
            plsc.addupdate_scatter(hist_v, [idx], ones)
            return 0

        lax.fori_loop(0, epw // LANES, acc_body, 0)
        pltpu.sync_copy(hist_v, out_hbm.at[pl.ds(wid * n_nodes, n_nodes)])

    return hist_kernel(dst).reshape(NW, n_nodes)


def _sc_scatter(src, dst, h2, n_nodes):
    (E,) = src.shape
    d = h2.shape[1]
    epw = E // NW
    CHUNK = 80
    assert epw % CHUNK == 0
    n_chunks = epw // CHUNK
    rpt = -(-n_nodes // NS // CHUNK) * CHUNK
    n_pad = rpt * NS

    mesh = plsc.VectorSubcoreMesh(core_axis_name="c", subcore_axis_name="s",
                                  num_cores=NC, num_subcores=NS)

    @functools.partial(
        pl.kernel,
        mesh=mesh,
        out_type=jax.ShapeDtypeStruct((NC, n_pad, d), jnp.float32),
        compiler_params=pltpu.CompilerParams(needs_layout_passes=False),
        scratch_types=[
            pltpu.VMEM((epw,), jnp.int32),
            pltpu.VMEM((CHUNK,), jnp.int32),
            pltpu.VMEM((CHUNK,), jnp.int32),
            pltpu.VMEM((CHUNK,), jnp.int32),
            pltpu.VMEM((CHUNK, d), jnp.float32),
            pltpu.VMEM((CHUNK, d), jnp.float32),
            pltpu.VMEM((CHUNK, d), jnp.float32),
            pltpu.VMEM_SHARED((n_pad, d), jnp.float32),
        ] + [pltpu.SemaphoreType.DMA] * 9,
    )
    def scatter_kernel(src_hbm, dst_hbm, h2_hbm, out_hbm,
                       src_all, dv0, dv1, dv2,
                       rows0, rows1, rows2, acc,
                       sg0, sg1, sg2, sd0, sd1, sd2, ss0, ss1, ss2):
        c = lax.axis_index("c")
        s = lax.axis_index("s")
        wid = c * NS + s
        ebase = wid * epw
        slots = ((rows0, dv0, sg0, sd0, ss0),
                 (rows1, dv1, sg1, sd1, ss1),
                 (rows2, dv2, sg2, sd2, ss2))

        zeros = jnp.zeros((LANES,), jnp.float32)
        vecs_per_row = d // LANES

        def zbuf_body(k, _):
            i = k // vecs_per_row
            j = k % vecs_per_row
            rows0[i, pl.ds(j * LANES, LANES)] = zeros
            return 0

        lax.fori_loop(0, CHUNK * vecs_per_row, zbuf_body, 0)

        row0 = s * rpt
        for t in range(rpt // CHUNK):
            pltpu.sync_copy(rows0, acc.at[pl.ds(row0 + t * CHUNK, CHUNK)])
        plsc.subcore_barrier()

        pltpu.sync_copy(src_hbm.at[pl.ds(ebase, epw)], src_all)

        def gather_start(k, slot):
            rows, dv, sg, sd, _ = slot
            pltpu.async_copy(
                h2_hbm.at[src_all.at[pl.ds(k * CHUNK, CHUNK)]], rows, sg)
            pltpu.async_copy(dst_hbm.at[pl.ds(ebase + k * CHUNK, CHUNK)],
                             dv, sd)

        gather_start(0, slots[0])
        gather_start(1, slots[1])

        def process(k, slot, nxt):
            rows, dv, sg, sd, ss = slot
            n_rows, n_dv, _, _, n_ss = nxt

            @pl.when(k >= 2)
            def _():
                pltpu.make_async_copy(n_rows, acc.at[n_dv], n_ss).wait()

            @pl.when((k >= 1) & (k + 1 < n_chunks))
            def _():
                gather_start(k + 1, nxt)

            pltpu.make_async_copy(
                h2_hbm.at[src_all.at[pl.ds(k * CHUNK, CHUNK)]],
                rows, sg).wait()
            pltpu.make_async_copy(
                dst_hbm.at[pl.ds(ebase + k * CHUNK, CHUNK)], dv, sd).wait()
            pltpu.async_copy(rows, acc.at[dv], ss, add=True)

        def edge_body(k, _):
            for p in range(3):
                @pl.when(k % 3 == p)
                def _(p=p):
                    process(k, slots[p], slots[(p + 1) % 3])
            return 0

        lax.fori_loop(0, n_chunks, edge_body, 0)
        for k in (n_chunks - 2, n_chunks - 1):
            rows, dv, _, _, ss = slots[k % 3]
            pltpu.make_async_copy(rows, acc.at[dv], ss).wait()
        plsc.subcore_barrier()

        pltpu.sync_copy(acc.at[pl.ds(row0, rpt)], out_hbm.at[c, pl.ds(row0, rpt)])

    return scatter_kernel(src, dst, h2)


def _tc_dense(x, W_in, b_in, W_h, b_h, W_g):
    n, d_in = x.shape
    d_h = W_in.shape[1]

    def body(x_ref, wi_ref, bi_ref, wh_ref, bh_ref, wg_ref,
             feat_ref, h_ref):
        f1 = jnp.maximum(
            jnp.dot(x_ref[...], wi_ref[...],
                    preferred_element_type=jnp.float32) + bi_ref[...], 0.0)
        f2 = jnp.maximum(
            jnp.dot(f1, wh_ref[...],
                    preferred_element_type=jnp.float32) + bh_ref[...], 0.0)
        feat_ref[...] = f2
        h_ref[...] = jnp.dot(f2, wg_ref[...],
                             preferred_element_type=jnp.float32)

    feat, h = pl.pallas_call(
        body,
        out_shape=[
            jax.ShapeDtypeStruct((n, d_h), jnp.float32),
            jax.ShapeDtypeStruct((n, d_h), jnp.float32),
        ],
    )(x, W_in, b_in.reshape(1, -1), W_h, b_h.reshape(1, -1), W_g)
    return feat, h


def _tc_scale(h, hist):
    n, d = h.shape

    def body(h_ref, hist_ref, h2_ref):
        deg = jnp.sum(hist_ref[...], axis=0) + 1.0
        dinv = lax.rsqrt(deg)
        h2_ref[...] = h_ref[...] * dinv[:, None]

    return pl.pallas_call(
        body,
        out_shape=jax.ShapeDtypeStruct((n, d), jnp.float32),
    )(h, hist)


def _tc_finish(p, h2, hist, b_g):
    n, d = h2.shape

    def body(p_ref, h2_ref, hist_ref, bg_ref, out_ref):
        deg = jnp.sum(hist_ref[...], axis=0) + 1.0
        dinv = lax.rsqrt(deg)
        tot = p_ref[0, :n, :] + p_ref[1, :n, :] + h2_ref[...]
        out_ref[...] = tot * dinv[:, None] + bg_ref[...]

    return pl.pallas_call(
        body,
        out_shape=jax.ShapeDtypeStruct((n, d), jnp.float32),
    )(p, h2, hist, b_g.reshape(1, -1))


def kernel(x, edge_index, W_in, b_in, W_h, b_h, W_g, b_g):
    n = x.shape[0]
    src = edge_index[0]
    dst = edge_index[1]
    hist = _sc_hist(dst, n)
    feat, h = _tc_dense(x, W_in, b_in, W_h, b_h, W_g)
    h2 = _tc_scale(h, hist)
    p = _sc_scatter(src, dst, h2, n)
    out_feat = _tc_finish(p, h2, hist, b_g)
    return (feat, out_feat)

# --- scband reference (transcript-rebuilt; emitter-appended) ---
"""Pipeline reference for scband-custom-stellar-encoder-16037407883287 (READ-ONLY COPY).

The authoritative reference and input builder live on the scoring server;
editing this copy changes nothing except your own understanding.
"""

import jax, jax.numpy as jnp
import numpy as np

N = 10000
E = 320000
D_IN = 128
D_H = 128


def setup_inputs(seed: int = 0) -> dict:
    key = jax.random.key(seed)
    ks = jax.random.split(key, 8)
    x = jax.random.normal(ks[0], (N, D_IN), dtype=jnp.float32)
    edge_index = jax.random.randint(ks[1], (2, E), 0, N).astype(jnp.int32)
    s_in = 1.0 / np.sqrt(D_IN)
    s_h = 1.0 / np.sqrt(D_H)
    W_in = jax.random.uniform(ks[2], (D_IN, D_H), dtype=jnp.float32, minval=-s_in, maxval=s_in)
    b_in = jax.random.uniform(ks[3], (D_H,), dtype=jnp.float32, minval=-s_in, maxval=s_in)
    W_h = jax.random.uniform(ks[4], (D_H, D_H), dtype=jnp.float32, minval=-s_h, maxval=s_h)
    b_h = jax.random.uniform(ks[5], (D_H,), dtype=jnp.float32, minval=-s_h, maxval=s_h)
    W_g = jax.random.uniform(ks[6], (D_H, D_H), dtype=jnp.float32, minval=-s_h, maxval=s_h)
    b_g = jax.random.uniform(ks[7], (D_H,), dtype=jnp.float32, minval=-s_h, maxval=s_h)
    return {"x": x, "edge_index": edge_index, "W_in": W_in, "b_in": b_in,
            "W_h": W_h, "b_h": b_h, "W_g": W_g, "b_g": b_g}


def _gcn_conv(feat, edge_index, W_g, b_g):
    # PyG GCNConv: add self-loops, symmetric normalization, sum aggregation
    loop = jnp.arange(N, dtype=edge_index.dtype)
    src = jnp.concatenate([edge_index[0], loop])
    dst = jnp.concatenate([edge_index[1], loop])
    h = feat @ W_g
    deg = jax.ops.segment_sum(jnp.ones(src.shape[0], dtype=h.dtype), dst, num_segments=N)
    dinv = jax.lax.rsqrt(jnp.maximum(deg, 1e-12))
    norm = dinv[src] * dinv[dst]
    msg = h[src] * norm[:, None]
    out = jax.ops.segment_sum(msg, dst, num_segments=N) + b_g
    return out


def reference(x, edge_index, W_in, b_in, W_h, b_h, W_g, b_g):
    feat = jax.nn.relu(x @ W_in + b_in)
    feat = jax.nn.relu(feat @ W_h + b_h)  # hidden_linear (1 layer, Linear+ReLU)
    out_feat = _gcn_conv(feat, edge_index, W_g, b_g)  # single graph layer, no batch norm
    return (feat, out_feat)

if __name__ == "__main__":
    import jax
    _d = setup_inputs()
    print(jax.jit(kernel)(*tuple(_d.values())))

</pallas_src>

<mosaic_0001>
#map = affine_map<(d0, d1) -> (0)>
#map1 = affine_map<(d0, d1) -> (0, 0)>
#map2 = affine_map<(d0, d1) -> (0, 0, 0)>
module attributes {stable_mosaic.version = 14 : i64} {
  func.func @scatter_kernel(%arg0: i32, %arg1: i32, %arg2: memref<320000xi32, #tpu.memory_space<hbm>>, %arg3: memref<320000xi32, #tpu.memory_space<hbm>>, %arg4: memref<10000x128xf32, #tpu.memory_space<hbm>>, %arg5: memref<2x10240x128xf32, #tpu.memory_space<hbm>>, %arg6: memref<10000xi32, #tpu.memory_space<vmem>>, %arg7: memref<80xi32, #tpu.memory_space<vmem>>, %arg8: memref<80xi32, #tpu.memory_space<vmem>>, %arg9: memref<80xi32, #tpu.memory_space<vmem>>, %arg10: memref<80x128xf32, #tpu.memory_space<vmem>>, %arg11: memref<80x128xf32, #tpu.memory_space<vmem>>, %arg12: memref<80x128xf32, #tpu.memory_space<vmem>>, %arg13: memref<10240x128xf32, #tpu.memory_space<vmem_shared>>, %arg14: memref<!tpu.dma_semaphore, #tpu.memory_space<semaphore_mem>>, %arg15: memref<!tpu.dma_semaphore, #tpu.memory_space<semaphore_mem>>, %arg16: memref<!tpu.dma_semaphore, #tpu.memory_space<semaphore_mem>>, %arg17: memref<!tpu.dma_semaphore, #tpu.memory_space<semaphore_mem>>, %arg18: memref<!tpu.dma_semaphore, #tpu.memory_space<semaphore_mem>>, %arg19: memref<!tpu.dma_semaphore, #tpu.memory_space<semaphore_mem>>, %arg20: memref<!tpu.dma_semaphore, #tpu.memory_space<semaphore_mem>>, %arg21: memref<!tpu.dma_semaphore, #tpu.memory_space<semaphore_mem>>, %arg22: memref<!tpu.dma_semaphore, #tpu.memory_space<semaphore_mem>>) attributes {dimension_semantics = [#tpu.dimension_semantics<core_parallel>, #tpu.dimension_semantics<subcore_parallel>], iteration_bounds = array<i64: 2, 16>, scalar_prefetch = 0 : i64, scratch_operands = 17 : i64, tpu.core_type = #tpu.core_type<sc_vector_subcore>, window_params = [{transform_indices = #map}, {transform_indices = #map}, {transform_indices = #map1}, {transform_indices = #map2}]} {
    %mul3A = arith.constant 16 : i32
    %mul3A_0 = arith.muli %arg0, %mul3A : i32
    %add3A = arith.addi %mul3A_0, %arg1 : i32
    %mul3A_1 = arith.constant 10000 : i32
    %mul3A_2 = arith.muli %add3A, %mul3A_1 : i32
    %broadcast_in_dim3A = arith.constant 0.000000e+00 : f32
    %broadcast_in_dim3A_3 = vector.broadcast %broadcast_in_dim3A : f32 to vector<16xf32>
    %scan3A = arith.constant 0 : i32
    %scan3A_4 = arith.constant 0 : i32
    %scan3A_5 = arith.constant 640 : i32
    %scan3A_6 = arith.addi %scan3A_4, %scan3A_5 : i32
    %scan3A_7 = arith.constant 1 : i32
    %scan3A_8 = scf.for %scan3A_58 = %scan3A_4 to %scan3A_6 step %scan3A_7 iter_args(%scan3A_59 = %scan3A) -> (i32)  : i32 {
      %jit3A = arith.constant 8 : i32
      %div3A = arith.divsi %scan3A_58, %jit3A : i32
      %sign3A = arith.constant 0 : i32
      %sign3A_60 = arith.cmpi sgt, %scan3A_58, %sign3A : i32
      %sign3A_61 = arith.extui %sign3A_60 : i1 to i32
      %sign3A_62 = arith.constant 0 : i32
      %sign3A_63 = arith.cmpi slt, %scan3A_58, %sign3A_62 : i32
      %sign3A_64 = arith.extui %sign3A_63 : i1 to i32
      %sign3A_65 = arith.subi %sign3A_61, %sign3A_64 : i32
      %sign3A_66 = arith.constant 0 : i32
      %sign3A_67 = arith.cmpi sgt, %jit3A, %sign3A_66 : i32
      %sign3A_68 = arith.extui %sign3A_67 : i1 to i32
      %sign3A_69 = arith.constant 0 : i32
      %sign3A_70 = arith.cmpi slt, %jit3A, %sign3A_69 : i32
      %sign3A_71 = arith.extui %sign3A_70 : i1 to i32
      %sign3A_72 = arith.subi %sign3A_68, %sign3A_71 : i32
      %ne3A = arith.cmpi ne, %sign3A_65, %sign3A_72 : i32
      %rem3A = arith.remsi %scan3A_58, %jit3A : i32
      %ne3A_73 = arith.constant 0 : i32
      %ne3A_74 = arith.cmpi ne, %rem3A, %ne3A_73 : i32
      %and3A = arith.andi %ne3A, %ne3A_74 : i1
      %sub3A = arith.constant 1 : i32
      %sub3A_75 = arith.subi %div3A, %sub3A : i32
      %select_n3A = arith.select %and3A, %sub3A_75, %div3A : i32
      %jit3A_76 = arith.constant 8 : i32
      %eq3A = arith.constant 0 : i32
      %eq3A_77 = arith.cmpi eq, %jit3A_76, %eq3A : i32
      %jit3A_78 = arith.constant 1 : i32
      %select_n3A_79 = arith.select %eq3A_77, %jit3A_78, %jit3A_76 : i32
      %rem3A_80 = arith.remsi %scan3A_58, %select_n3A_79 : i32
      %ne3A_81 = arith.constant 0 : i32
      %ne3A_82 = arith.cmpi ne, %rem3A_80, %ne3A_81 : i32
      %lt3A = arith.constant 0 : i32
      %lt3A_83 = arith.cmpi slt, %rem3A_80, %lt3A : i32
      %lt3A_84 = arith.constant 0 : i32
      %lt3A_85 = arith.cmpi slt, %select_n3A_79, %lt3A_84 : i32
      %ne3A_86 = arith.xori %lt3A_83, %lt3A_85 : i1
      %and3A_87 = arith.andi %ne3A_86, %ne3A_82 : i1
      %add3A_88 = arith.addi %rem3A_80, %select_n3A_79 : i32
      %select_n3A_89 = arith.select %and3A_87, %add3A_88, %rem3A_80 : i32
      %mul3A_90 = arith.constant 16 : i32
      %mul3A_91 = arith.muli %select_n3A_89, %mul3A_90 : i32
      %swap3A = arith.index_cast %select_n3A : i32 to index
      %swap3A_92 = arith.index_cast %mul3A_91 : i32 to index
      %swap3A_93 = tpu.vector_load %arg10[%swap3A, %swap3A_92] {strides = array<i32>} : memref<80x128xf32, #tpu.memory_space<vmem>>, vector<16xf32>,
      tpu.vector_store %arg10[%swap3A, %swap3A_92], %broadcast_in_dim3A_3 {strides = array<i32>} : memref<80x128xf32, #tpu.memory_space<vmem>>, vector<16xf32>,
      %scan3A_94 = arith.constant 0 : i32
      scf.yield %scan3A_94 : i32
    }
    %scan3A_9 = arith.constant 640 : i32
    %mul3A_10 = arith.constant 640 : i32
    %mul3A_11 = arith.muli %arg1, %mul3A_10 : i32
    %add3A_12 = arith.constant 0 : i32
    %add3A_13 = arith.addi %mul3A_11, %add3A_12 : i32
    "tpu.region"() ({
      %run_scoped3A = tpu.sem_alloc : memref<!tpu.dma_semaphore, #tpu.memory_space<semaphore_mem>>
      %dma_start3A_58 = arith.constant 0 : i32
      %dma_start3A_59 = tpu.memref_slice %arg13[%add3A_13, %dma_start3A_58] : memref<10240x128xf32, #tpu.memory_space<vmem_shared>> -> memref<80x128xf32, #tpu.memory_space<vmem_shared>>
      %dma_start3A_60 = arith.constant 0 : i32
      %dma_start3A_61 = tpu.memref_slice %arg13[%add3A_13, %dma_start3A_60] : memref<10240x128xf32, #tpu.memory_space<vmem_shared>> -> memref<80x128xf32, #tpu.memory_space<vmem_shared>>
      tpu.enqueue_dma source(%arg10 : memref<80x128xf32, #tpu.memory_space<vmem>>) target(%dma_start3A_61 : memref<80x128xf32, #tpu.memory_space<vmem_shared>>) target_semaphore(%run_scoped3A : memref<!tpu.dma_semaphore, #tpu.memory_space<semaphore_mem>>)
      %dma_wait3A_62 = arith.constant 0 : i32
      %dma_wait3A_63 = tpu.memref_slice %arg13[%add3A_13, %dma_wait3A_62] : memref<10240x128xf32, #tpu.memory_space<vmem_shared>> -> memref<80x128xf32, #tpu.memory_space<vmem_shared>>
      %dma_wait3A_64 = arith.constant 0 : i32
      %dma_wait3A_65 = tpu.memref_slice %arg13[%add3A_13, %dma_wait3A_64] : memref<10240x128xf32, #tpu.memory_space<vmem_shared>> -> memref<80x128xf32, #tpu.memory_space<vmem_shared>>
      tpu.wait_dma2 semaphore(%run_scoped3A : memref<!tpu.dma_semaphore, #tpu.memory_space<semaphore_mem>>) src(%arg10 : memref<80x128xf32, #tpu.memory_space<vmem>>) dst(%dma_wait3A_65 : memref<80x128xf32, #tpu.memory_space<vmem_shared>>)
      tpu.yield
    }) : () -> ()
    %add3A_14 = arith.constant 80 : i32
    %add3A_15 = arith.addi %mul3A_11, %add3A_14 : i32
    "tpu.region"() ({
      %run_scoped3A = tpu.sem_alloc : memref<!tpu.dma_semaphore, #tpu.memory_space<semaphore_mem>>
      %dma_start3A_58 = arith.constant 0 : i32
      %dma_start3A_59 = tpu.memref_slice %arg13[%add3A_15, %dma_start3A_58] : memref<10240x128xf32, #tpu.memory_space<vmem_shared>> -> memref<80x128xf32, #tpu.memory_space<vmem_shared>>
      %dma_start3A_60 = arith.constant 0 : i32
      %dma_start3A_61 = tpu.memref_slice %arg13[%add3A_15, %dma_start3A_60] : memref<10240x128xf32, #tpu.memory_space<vmem_shared>> -> memref<80x128xf32, #tpu.memory_space<vmem_shared>>
      tpu.enqueue_dma source(%arg10 : memref<80x128xf32, #tpu.memory_space<vmem>>) target(%dma_start3A_61 : memref<80x128xf32, #tpu.memory_space<vmem_shared>>) target_semaphore(%run_scoped3A : memref<!tpu.dma_semaphore, #tpu.memory_space<semaphore_mem>>)
      %dma_wait3A_62 = arith.constant 0 : i32
      %dma_wait3A_63 = tpu.memref_slice %arg13[%add3A_15, %dma_wait3A_62] : memref<10240x128xf32, #tpu.memory_space<vmem_shared>> -> memref<80x128xf32, #tpu.memory_space<vmem_shared>>
      %dma_wait3A_64 = arith.constant 0 : i32
      %dma_wait3A_65 = tpu.memref_slice %arg13[%add3A_15, %dma_wait3A_64] : memref<10240x128xf32, #tpu.memory_space<vmem_shared>> -> memref<80x128xf32, #tpu.memory_space<vmem_shared>>
      tpu.wait_dma2 semaphore(%run_scoped3A : memref<!tpu.dma_semaphore, #tpu.memory_space<semaphore_mem>>) src(%arg10 : memref<80x128xf32, #tpu.memory_space<vmem>>) dst(%dma_wait3A_65 : memref<80x128xf32, #tpu.memory_space<vmem_shared>>)
      tpu.yield
    }) : () -> ()
    %add3A_16 = arith.constant 160 : i32
    %add3A_17 = arith.addi %mul3A_11, %add3A_16 : i32
    "tpu.region"() ({
      %run_scoped3A = tpu.sem_alloc : memref<!tpu.dma_semaphore, #tpu.memory_space<semaphore_mem>>
      %dma_start3A_58 = arith.constant 0 : i32
      %dma_start3A_59 = tpu.memref_slice %arg13[%add3A_17, %dma_start3A_58] : memref<10240x128xf32, #tpu.memory_space<vmem_shared>> -> memref<80x128xf32, #tpu.memory_space<vmem_shared>>
      %dma_start3A_60 = arith.constant 0 : i32
      %dma_start3A_61 = tpu.memref_slice %arg13[%add3A_17, %dma_start3A_60] : memref<10240x128xf32, #tpu.memory_space<vmem_shared>> -> memref<80x128xf32, #tpu.memory_space<vmem_shared>>
      tpu.enqueue_dma source(%arg10 : memref<80x128xf32, #tpu.memory_space<vmem>>) target(%dma_start3A_61 : memref<80x128xf32, #tpu.memory_space<vmem_shared>>) target_semaphore(%run_scoped3A : memref<!tpu.dma_semaphore, #tpu.memory_space<semaphore_mem>>)
      %dma_wait3A_62 = arith.constant 0 : i32
      %dma_wait3A_63 = tpu.memref_slice %arg13[%add3A_17, %dma_wait3A_62] : memref<10240x128xf32, #tpu.memory_space<vmem_shared>> -> memref<80x128xf32, #tpu.memory_space<vmem_shared>>
      %dma_wait3A_64 = arith.constant 0 : i32
      %dma_wait3A_65 = tpu.memref_slice %arg13[%add3A_17, %dma_wait3A_64] : memref<10240x128xf32, #tpu.memory_space<vmem_shared>> -> memref<80x128xf32, #tpu.memory_space<vmem_shared>>
      tpu.wait_dma2 semaphore(%run_scoped3A : memref<!tpu.dma_semaphore, #tpu.memory_space<semaphore_mem>>) src(%arg10 : memref<80x128xf32, #tpu.memory_space<vmem>>) dst(%dma_wait3A_65 : memref<80x128xf32, #tpu.memory_space<vmem_shared>>)
      tpu.yield
    }) : () -> ()
    %add3A_18 = arith.constant 240 : i32
    %add3A_19 = arith.addi %mul3A_11, %add3A_18 : i32
    "tpu.region"() ({
      %run_scoped3A = tpu.sem_alloc : memref<!tpu.dma_semaphore, #tpu.memory_space<semaphore_mem>>
      %dma_start3A_58 = arith.constant 0 : i32
      %dma_start3A_59 = tpu.memref_slice %arg13[%add3A_19, %dma_start3A_58] : memref<10240x128xf32, #tpu.memory_space<vmem_shared>> -> memref<80x128xf32, #tpu.memory_space<vmem_shared>>
      %dma_start3A_60 = arith.constant 0 : i32
      %dma_start3A_61 = tpu.memref_slice %arg13[%add3A_19, %dma_start3A_60] : memref<10240x128xf32, #tpu.memory_space<vmem_shared>> -> memref<80x128xf32, #tpu.memory_space<vmem_shared>>
      tpu.enqueue_dma source(%arg10 : memref<80x128xf32, #tpu.memory_space<vmem>>) target(%dma_start3A_61 : memref<80x128xf32, #tpu.memory_space<vmem_shared>>) target_semaphore(%run_scoped3A : memref<!tpu.dma_semaphore, #tpu.memory_space<semaphore_mem>>)
      %dma_wait3A_62 = arith.constant 0 : i32
      %dma_wait3A_63 = tpu.memref_slice %arg13[%add3A_19, %dma_wait3A_62] : memref<10240x128xf32, #tpu.memory_space<vmem_shared>> -> memref<80x128xf32, #tpu.memory_space<vmem_shared>>
      %dma_wait3A_64 = arith.constant 0 : i32
      %dma_wait3A_65 = tpu.memref_slice %arg13[%add3A_19, %dma_wait3A_64] : memref<10240x128xf32, #tpu.memory_space<vmem_shared>> -> memref<80x128xf32, #tpu.memory_space<vmem_shared>>
      tpu.wait_dma2 semaphore(%run_scoped3A : memref<!tpu.dma_semaphore, #tpu.memory_space<semaphore_mem>>) src(%arg10 : memref<80x128xf32, #tpu.memory_space<vmem>>) dst(%dma_wait3A_65 : memref<80x128xf32, #tpu.memory_space<vmem_shared>>)
      tpu.yield
    }) : () -> ()
    %add3A_20 = arith.constant 320 : i32
    %add3A_21 = arith.addi %mul3A_11, %add3A_20 : i32
    "tpu.region"() ({
      %run_scoped3A = tpu.sem_alloc : memref<!tpu.dma_semaphore, #tpu.memory_space<semaphore_mem>>
      %dma_start3A_58 = arith.constant 0 : i32
      %dma_start3A_59 = tpu.memref_slice %arg13[%add3A_21, %dma_start3A_58] : memref<10240x128xf32, #tpu.memory_space<vmem_shared>> -> memref<80x128xf32, #tpu.memory_space<vmem_shared>>
      %dma_start3A_60 = arith.constant 0 : i32
      %dma_start3A_61 = tpu.memref_slice %arg13[%add3A_21, %dma_start3A_60] : memref<10240x128xf32, #tpu.memory_space<vmem_shared>> -> memref<80x128xf32, #tpu.memory_space<vmem_shared>>
      tpu.enqueue_dma source(%arg10 : memref<80x128xf32, #tpu.memory_space<vmem>>) target(%dma_start3A_61 : memref<80x128xf32, #tpu.memory_space<vmem_shared>>) target_semaphore(%run_scoped3A : memref<!tpu.dma_semaphore, #tpu.memory_space<semaphore_mem>>)
      %dma_wait3A_62 = arith.constant 0 : i32
      %dma_wait3A_63 = tpu.memref_slice %arg13[%add3A_21, %dma_wait3A_62] : memref<10240x128xf32, #tpu.memory_space<vmem_shared>> -> memref<80x128xf32, #tpu.memory_space<vmem_shared>>
      %dma_wait3A_64 = arith.constant 0 : i32
      %dma_wait3A_65 = tpu.memref_slice %arg13[%add3A_21, %dma_wait3A_64] : memref<10240x128xf32, #tpu.memory_space<vmem_shared>> -> memref<80x128xf32, #tpu.memory_space<vmem_shared>>
      tpu.wait_dma2 semaphore(%run_scoped3A : memref<!tpu.dma_semaphore, #tpu.memory_space<semaphore_mem>>) src(%arg10 : memref<80x128xf32, #tpu.memory_space<vmem>>) dst(%dma_wait3A_65 : memref<80x128xf32, #tpu.memory_space<vmem_shared>>)
      tpu.yield
    }) : () -> ()
    %add3A_22 = arith.constant 400 : i32
    %add3A_23 = arith.addi %mul3A_11, %add3A_22 : i32
    "tpu.region"() ({
      %run_scoped3A = tpu.sem_alloc : memref<!tpu.dma_semaphore, #tpu.memory_space<semaphore_mem>>
      %dma_start3A_58 = arith.constant 0 : i32
      %dma_start3A_59 = tpu.memref_slice %arg13[%add3A_23, %dma_start3A_58] : memref<10240x128xf32, #tpu.memory_space<vmem_shared>> -> memref<80x128xf32, #tpu.memory_space<vmem_shared>>
      %dma_start3A_60 = arith.constant 0 : i32
      %dma_start3A_61 = tpu.memref_slice %arg13[%add3A_23, %dma_start3A_60] : memref<10240x128xf32, #tpu.memory_space<vmem_shared>> -> memref<80x128xf32, #tpu.memory_space<vmem_shared>>
      tpu.enqueue_dma source(%arg10 : memref<80x128xf32, #tpu.memory_space<vmem>>) target(%dma_start3A_61 : memref<80x128xf32, #tpu.memory_space<vmem_shared>>) target_semaphore(%run_scoped3A : memref<!tpu.dma_semaphore, #tpu.memory_space<semaphore_mem>>)
      %dma_wait3A_62 = arith.constant 0 : i32
      %dma_wait3A_63 = tpu.memref_slice %arg13[%add3A_23, %dma_wait3A_62] : memref<10240x128xf32, #tpu.memory_space<vmem_shared>> -> memref<80x128xf32, #tpu.memory_space<vmem_shared>>
      %dma_wait3A_64 = arith.constant 0 : i32
      %dma_wait3A_65 = tpu.memref_slice %arg13[%add3A_23, %dma_wait3A_64] : memref<10240x128xf32, #tpu.memory_space<vmem_shared>> -> memref<80x128xf32, #tpu.memory_space<vmem_shared>>
      tpu.wait_dma2 semaphore(%run_scoped3A : memref<!tpu.dma_semaphore, #tpu.memory_space<semaphore_mem>>) src(%arg10 : memref<80x128xf32, #tpu.memory_space<vmem>>) dst(%dma_wait3A_65 : memref<80x128xf32, #tpu.memory_space<vmem_shared>>)
      tpu.yield
    }) : () -> ()
    %add3A_24 = arith.constant 480 : i32
    %add3A_25 = arith.addi %mul3A_11, %add3A_24 : i32
    "tpu.region"() ({
      %run_scoped3A = tpu.sem_alloc : memref<!tpu.dma_semaphore, #tpu.memory_space<semaphore_mem>>
      %dma_start3A_58 = arith.constant 0 : i32
      %dma_start3A_59 = tpu.memref_slice %arg13[%add3A_25, %dma_start3A_58] : memref<10240x128xf32, #tpu.memory_space<vmem_shared>> -> memref<80x128xf32, #tpu.memory_space<vmem_shared>>
      %dma_start3A_60 = arith.constant 0 : i32
      %dma_start3A_61 = tpu.memref_slice %arg13[%add3A_25, %dma_start3A_60] : memref<10240x128xf32, #tpu.memory_space<vmem_shared>> -> memref<80x128xf32, #tpu.memory_space<vmem_shared>>
      tpu.enqueue_dma source(%arg10 : memref<80x128xf32, #tpu.memory_space<vmem>>) target(%dma_start3A_61 : memref<80x128xf32, #tpu.memory_space<vmem_shared>>) target_semaphore(%run_scoped3A : memref<!tpu.dma_semaphore, #tpu.memory_space<semaphore_mem>>)
      %dma_wait3A_62 = arith.constant 0 : i32
      %dma_wait3A_63 = tpu.memref_slice %arg13[%add3A_25, %dma_wait3A_62] : memref<10240x128xf32, #tpu.memory_space<vmem_shared>> -> memref<80x128xf32, #tpu.memory_space<vmem_shared>>
      %dma_wait3A_64 = arith.constant 0 : i32
      %dma_wait3A_65 = tpu.memref_slice %arg13[%add3A_25, %dma_wait3A_64] : memref<10240x128xf32, #tpu.memory_space<vmem_shared>> -> memref<80x128xf32, #tpu.memory_space<vmem_shared>>
      tpu.wait_dma2 semaphore(%run_scoped3A : memref<!tpu.dma_semaphore, #tpu.memory_space<semaphore_mem>>) src(%arg10 : memref<80x128xf32, #tpu.memory_space<vmem>>) dst(%dma_wait3A_65 : memref<80x128xf32, #tpu.memory_space<vmem_shared>>)
      tpu.yield
    }) : () -> ()
    %add3A_26 = arith.constant 560 : i32
    %add3A_27 = arith.addi %mul3A_11, %add3A_26 : i32
    "tpu.region"() ({
      %run_scoped3A = tpu.sem_alloc : memref<!tpu.dma_semaphore, #tpu.memory_space<semaphore_mem>>
      %dma_start3A_58 = arith.constant 0 : i32
      %dma_start3A_59 = tpu.memref_slice %arg13[%add3A_27, %dma_start3A_58] : memref<10240x128xf32, #tpu.memory_space<vmem_shared>> -> memref<80x128xf32, #tpu.memory_space<vmem_shared>>
      %dma_start3A_60 = arith.constant 0 : i32
      %dma_start3A_61 = tpu.memref_slice %arg13[%add3A_27, %dma_start3A_60] : memref<10240x128xf32, #tpu.memory_space<vmem_shared>> -> memref<80x128xf32, #tpu.memory_space<vmem_shared>>
      tpu.enqueue_dma source(%arg10 : memref<80x128xf32, #tpu.memory_space<vmem>>) target(%dma_start3A_61 : memref<80x128xf32, #tpu.memory_space<vmem_shared>>) target_semaphore(%run_scoped3A : memref<!tpu.dma_semaphore, #tpu.memory_space<semaphore_mem>>)
      %dma_wait3A_62 = arith.constant 0 : i32
      %dma_wait3A_63 = tpu.memref_slice %arg13[%add3A_27, %dma_wait3A_62] : memref<10240x128xf32, #tpu.memory_space<vmem_shared>> -> memref<80x128xf32, #tpu.memory_space<vmem_shared>>
      %dma_wait3A_64 = arith.constant 0 : i32
      %dma_wait3A_65 = tpu.memref_slice %arg13[%add3A_27, %dma_wait3A_64] : memref<10240x128xf32, #tpu.memory_space<vmem_shared>> -> memref<80x128xf32, #tpu.memory_space<vmem_shared>>
      tpu.wait_dma2 semaphore(%run_scoped3A : memref<!tpu.dma_semaphore, #tpu.memory_space<semaphore_mem>>) src(%arg10 : memref<80x128xf32, #tpu.memory_space<vmem>>) dst(%dma_wait3A_65 : memref<80x128xf32, #tpu.memory_space<vmem_shared>>)
      tpu.yield
    }) : () -> ()
    %barrier3A = arith.constant 0 : index
    tpu.barrier barrier_id(%barrier3A)
    "tpu.region"() ({
      %run_scoped3A = tpu.sem_alloc : memref<!tpu.dma_semaphore, #tpu.memory_space<semaphore_mem>>
      %dma_start3A_58 = tpu.memref_slice %arg2[%mul3A_2] : memref<320000xi32, #tpu.memory_space<hbm>> -> memref<10000xi32, #tpu.memory_space<hbm>>
      %dma_start3A_59 = tpu.memref_slice %arg2[%mul3A_2] : memref<320000xi32, #tpu.memory_space<hbm>> -> memref<10000xi32, #tpu.memory_space<hbm>>
      tpu.enqueue_dma source(%dma_start3A_59 : memref<10000xi32, #tpu.memory_space<hbm>>) target(%arg6 : memref<10000xi32, #tpu.memory_space<vmem>>) target_semaphore(%run_scoped3A : memref<!tpu.dma_semaphore, #tpu.memory_space<semaphore_mem>>)
      %dma_wait3A_60 = tpu.memref_slice %arg2[%mul3A_2] : memref<320000xi32, #tpu.memory_space<hbm>> -> memref<10000xi32, #tpu.memory_space<hbm>>
      %dma_wait3A_61 = tpu.memref_slice %arg2[%mul3A_2] : memref<320000xi32, #tpu.memory_space<hbm>> -> memref<10000xi32, #tpu.memory_space<hbm>>
      tpu.wait_dma2 semaphore(%run_scoped3A : memref<!tpu.dma_semaphore, #tpu.memory_space<semaphore_mem>>) src(%dma_wait3A_61 : memref<10000xi32, #tpu.memory_space<hbm>>) dst(%arg6 : memref<10000xi32, #tpu.memory_space<vmem>>)
      tpu.yield
    }) : () -> ()
    %dma_start3A = arith.constant 0 : i32
    %dma_start3A_28 = tpu.memref_slice %arg6[%dma_start3A] : memref<10000xi32, #tpu.memory_space<vmem>> -> memref<80xi32, #tpu.memory_space<vmem>>
    %dma_start3A_29 = arith.constant 0 : i32
    %dma_start3A_30 = arith.constant 0 : i32
    %dma_start3A_31 = tpu.memref_slice %arg4[%dma_start3A_29, %dma_start3A_30] : memref<10000x128xf32, #tpu.memory_space<hbm>> -> memref<10000x128xf32, #tpu.memory_space<hbm>>
    tpu.enqueue_indirect_dma source(%dma_start3A_31 : memref<10000x128xf32, #tpu.memory_space<hbm>>) target(%arg10 : memref<80x128xf32, #tpu.memory_space<vmem>>) offsets(%dma_start3A_28 : memref<80xi32, #tpu.memory_space<vmem>>) semaphore(%arg14 : memref<!tpu.dma_semaphore, #tpu.memory_space<semaphore_mem>>)
    %add3A_32 = arith.constant 0 : i32
    %add3A_33 = arith.addi %mul3A_2, %add3A_32 : i32
    %dma_start3A_34 = tpu.memref_slice %arg3[%add3A_33] : memref<320000xi32, #tpu.memory_space<hbm>> -> memref<80xi32, #tpu.memory_space<hbm>>
    %dma_start3A_35 = tpu.memref_slice %arg3[%add3A_33] : memref<320000xi32, #tpu.memory_space<hbm>> -> memref<80xi32, #tpu.memory_space<hbm>>
    tpu.enqueue_dma source(%dma_start3A_35 : memref<80xi32, #tpu.memory_space<hbm>>) target(%arg7 : memref<80xi32, #tpu.memory_space<vmem>>) target_semaphore(%arg17 : memref<!tpu.dma_semaphore, #tpu.memory_space<semaphore_mem>>)
    %dma_start3A_36 = arith.constant 80 : i32
    %dma_start3A_37 = tpu.memref_slice %arg6[%dma_start3A_36] : memref<10000xi32, #tpu.memory_space<vmem>> -> memref<80xi32, #tpu.memory_space<vmem>>
    %dma_start3A_38 = arith.constant 0 : i32
    %dma_start3A_39 = arith.constant 0 : i32
    %dma_start3A_40 = tpu.memref_slice %arg4[%dma_start3A_38, %dma_start3A_39] : memref<10000x128xf32, #tpu.memory_space<hbm>> -> memref<10000x128xf32, #tpu.memory_space<hbm>>
    tpu.enqueue_indirect_dma source(%dma_start3A_40 : memref<10000x128xf32, #tpu.memory_space<hbm>>) target(%arg11 : memref<80x128xf32, #tpu.memory_space<vmem>>) offsets(%dma_start3A_37 : memref<80xi32, #tpu.memory_space<vmem>>) semaphore(%arg15 : memref<!tpu.dma_semaphore, #tpu.memory_space<semaphore_mem>>)
    %add3A_41 = arith.constant 80 : i32
    %add3A_42 = arith.addi %mul3A_2, %add3A_41 : i32
    %dma_start3A_43 = tpu.memref_slice %arg3[%add3A_42] : memref<320000xi32, #tpu.memory_space<hbm>> -> memref<80xi32, #tpu.memory_space<hbm>>
    %dma_start3A_44 = tpu.memref_slice %arg3[%add3A_42] : memref<320000xi32, #tpu.memory_space<hbm>> -> memref<80xi32, #tpu.memory_space<hbm>>
    tpu.enqueue_dma source(%dma_start3A_44 : memref<80xi32, #tpu.memory_space<hbm>>) target(%arg8 : memref<80xi32, #tpu.memory_space<vmem>>) target_semaphore(%arg18 : memref<!tpu.dma_semaphore, #tpu.memory_space<semaphore_mem>>)
    %scan3A_45 = arith.constant 0 : i32
    %scan3A_46 = arith.constant 0 : i32
    %scan3A_47 = arith.constant 125 : i32
    %scan3A_48 = arith.addi %scan3A_46, %scan3A_47 : i32
    %scan3A_49 = arith.constant 1 : i32
    %scan3A_50 = scf.for %scan3A_58 = %scan3A_46 to %scan3A_48 step %scan3A_49 iter_args(%scan3A_59 = %scan3A_45) -> (i32)  : i32 {
      %jit3A = arith.constant 3 : i32
      %eq3A = arith.constant 0 : i32
      %eq3A_60 = arith.cmpi eq, %jit3A, %eq3A : i32
      %jit3A_61 = arith.constant 1 : i32
      %select_n3A = arith.select %eq3A_60, %jit3A_61, %jit3A : i32
      %rem3A = arith.remsi %scan3A_58, %select_n3A : i32
      %ne3A = arith.constant 0 : i32
      %ne3A_62 = arith.cmpi ne, %rem3A, %ne3A : i32
      %lt3A = arith.constant 0 : i32
      %lt3A_63 = arith.cmpi slt, %rem3A, %lt3A : i32
      %lt3A_64 = arith.constant 0 : i32
      %lt3A_65 = arith.cmpi slt, %select_n3A, %lt3A_64 : i32
      %ne3A_66 = arith.xori %lt3A_63, %lt3A_65 : i1
      %and3A = arith.andi %ne3A_66, %ne3A_62 : i1
      %add3A_67 = arith.addi %rem3A, %select_n3A : i32
      %select_n3A_68 = arith.select %and3A, %add3A_67, %rem3A : i32
      %eq3A_69 = arith.constant 0 : i32
      %eq3A_70 = arith.cmpi eq, %select_n3A_68, %eq3A_69 : i32
      %convert_element_type3A = arith.extui %eq3A_70 : i1 to i32
      %cond3A = arith.constant 0 : i32
      %cond3A_71 = arith.cmpi ne, %convert_element_type3A, %cond3A : i32
      scf.if %cond3A_71 {
        %ge3A = arith.constant 2 : i32
        %ge3A_115 = arith.cmpi sge, %scan3A_58, %ge3A : i32
        %convert_element_type3A_116 = arith.extui %ge3A_115 : i1 to i32
        %cond3A_117 = arith.constant 0 : i32
        %cond3A_118 = arith.cmpi ne, %convert_element_type3A_116, %cond3A_117 : i32
        scf.if %cond3A_118 {
          %dma_wait3A_143 = arith.constant 0 : i32
          %dma_wait3A_144 = arith.constant 0 : i32
          %dma_wait3A_145 = tpu.memref_slice %arg13[%dma_wait3A_143, %dma_wait3A_144] : memref<10240x128xf32, #tpu.memory_space<vmem_shared>> -> memref<10240x128xf32, #tpu.memory_space<vmem_shared>>
          tpu.wait_indirect_dma semaphore(%arg21 : memref<!tpu.dma_semaphore, #tpu.memory_space<semaphore_mem>>) src(%arg11 : memref<80x128xf32, #tpu.memory_space<vmem>>) dst(%dma_wait3A_145 : memref<10240x128xf32, #tpu.memory_space<vmem_shared>>)
        } else {
        }
        %ge3A_119 = arith.constant 1 : i32
        %ge3A_120 = arith.cmpi sge, %scan3A_58, %ge3A_119 : i32
        %add3A_121 = arith.constant 1 : i32
        %add3A_122 = arith.addi %scan3A_58, %add3A_121 : i32
        %lt3A_123 = arith.constant 125 : i32
        %lt3A_124 = arith.cmpi slt, %add3A_122, %lt3A_123 : i32
        %and3A_125 = arith.andi %ge3A_120, %lt3A_124 : i1
        %convert_element_type3A_126 = arith.extui %and3A_125 : i1 to i32
        %cond3A_127 = arith.constant 0 : i32
        %cond3A_128 = arith.cmpi ne, %convert_element_type3A_126, %cond3A_127 : i32
        scf.if %cond3A_128 {
          %add3A_143 = arith.constant 1 : i32
          %add3A_144 = arith.addi %scan3A_58, %add3A_143 : i32
          %mul3A_145 = arith.constant 80 : i32
          %mul3A_146 = arith.muli %add3A_144, %mul3A_145 : i32
          %dma_start3A_147 = tpu.memref_slice %arg6[%mul3A_146] : memref<10000xi32, #tpu.memory_space<vmem>> -> memref<80xi32, #tpu.memory_space<vmem>>
          %dma_start3A_148 = arith.constant 0 : i32
          %dma_start3A_149 = arith.constant 0 : i32
          %dma_start3A_150 = tpu.memref_slice %arg4[%dma_start3A_148, %dma_start3A_149] : memref<10000x128xf32, #tpu.memory_space<hbm>> -> memref<10000x128xf32, #tpu.memory_space<hbm>>
          tpu.enqueue_indirect_dma source(%dma_start3A_150 : memref<10000x128xf32, #tpu.memory_space<hbm>>) target(%arg11 : memref<80x128xf32, #tpu.memory_space<vmem>>) offsets(%dma_start3A_147 : memref<80xi32, #tpu.memory_space<vmem>>) semaphore(%arg15 : memref<!tpu.dma_semaphore, #tpu.memory_space<semaphore_mem>>)
          %mul3A_151 = arith.constant 80 : i32
          %mul3A_152 = arith.muli %add3A_144, %mul3A_151 : i32
          %add3A_153 = arith.addi %mul3A_2, %mul3A_152 : i32
          %dma_start3A_154 = tpu.memref_slice %arg3[%add3A_153] : memref<320000xi32, #tpu.memory_space<hbm>> -> memref<80xi32, #tpu.memory_space<hbm>>
          %dma_start3A_155 = tpu.memref_slice %arg3[%add3A_153] : memref<320000xi32, #tpu.memory_space<hbm>> -> memref<80xi32, #tpu.memory_space<hbm>>
          tpu.enqueue_dma source(%dma_start3A_155 : memref<80xi32, #tpu.memory_space<hbm>>) target(%arg8 : memref<80xi32, #tpu.memory_space<vmem>>) target_semaphore(%arg18 : memref<!tpu.dma_semaphore, #tpu.memory_space<semaphore_mem>>)
        } else {
        }
        %mul3A_129 = arith.constant 80 : i32
        %mul3A_130 = arith.muli %scan3A_58, %mul3A_129 : i32
        %dma_wait3A_131 = tpu.memref_slice %arg6[%mul3A_130] : memref<10000xi32, #tpu.memory_space<vmem>> -> memref<80xi32, #tpu.memory_space<vmem>>
        %dma_wait3A_132 = arith.constant 0 : i32
        %dma_wait3A_133 = arith.constant 0 : i32
        %dma_wait3A_134 = tpu.memref_slice %arg4[%dma_wait3A_132, %dma_wait3A_133] : memref<10000x128xf32, #tpu.memory_space<hbm>> -> memref<10000x128xf32, #tpu.memory_space<hbm>>
        tpu.wait_indirect_dma semaphore(%arg14 : memref<!tpu.dma_semaphore, #tpu.memory_space<semaphore_mem>>) src(%dma_wait3A_134 : memref<10000x128xf32, #tpu.memory_space<hbm>>) dst(%arg10 : memref<80x128xf32, #tpu.memory_space<vmem>>)
        %mul3A_135 = arith.constant 80 : i32
        %mul3A_136 = arith.muli %scan3A_58, %mul3A_135 : i32
        %add3A_137 = arith.addi %mul3A_2, %mul3A_136 : i32
        %dma_wait3A_138 = tpu.memref_slice %arg3[%add3A_137] : memref<320000xi32, #tpu.memory_space<hbm>> -> memref<80xi32, #tpu.memory_space<hbm>>
        %dma_wait3A_139 = tpu.memref_slice %arg3[%add3A_137] : memref<320000xi32, #tpu.memory_space<hbm>> -> memref<80xi32, #tpu.memory_space<hbm>>
        tpu.wait_dma2 semaphore(%arg17 : memref<!tpu.dma_semaphore, #tpu.memory_space<semaphore_mem>>) src(%dma_wait3A_139 : memref<80xi32, #tpu.memory_space<hbm>>) dst(%arg7 : memref<80xi32, #tpu.memory_space<vmem>>)
        %dma_start3A_140 = arith.constant 0 : i32
        %dma_start3A_141 = arith.constant 0 : i32
        %dma_start3A_142 = tpu.memref_slice %arg13[%dma_start3A_140, %dma_start3A_141] : memref<10240x128xf32, #tpu.memory_space<vmem_shared>> -> memref<10240x128xf32, #tpu.memory_space<vmem_shared>>
        tpu.enqueue_indirect_dma source(%arg10 : memref<80x128xf32, #tpu.memory_space<vmem>>) target(%dma_start3A_142 : memref<10240x128xf32, #tpu.memory_space<vmem_shared>>) offsets(%arg7 : memref<80xi32, #tpu.memory_space<vmem>>) semaphore(%arg20 : memref<!tpu.dma_semaphore, #tpu.memory_space<semaphore_mem>>) {add = true}
      } else {
      }
      %jit3A_72 = arith.constant 3 : i32
      %eq3A_73 = arith.constant 0 : i32
      %eq3A_74 = arith.cmpi eq, %jit3A_72, %eq3A_73 : i32
      %jit3A_75 = arith.constant 1 : i32
      %select_n3A_76 = arith.select %eq3A_74, %jit3A_75, %jit3A_72 : i32
      %rem3A_77 = arith.remsi %scan3A_58, %select_n3A_76 : i32
      %ne3A_78 = arith.constant 0 : i32
      %ne3A_79 = arith.cmpi ne, %rem3A_77, %ne3A_78 : i32
      %lt3A_80 = arith.constant 0 : i32
      %lt3A_81 = arith.cmpi slt, %rem3A_77, %lt3A_80 : i32
      %lt3A_82 = arith.constant 0 : i32
      %lt3A_83 = arith.cmpi slt, %select_n3A_76, %lt3A_82 : i32
      %ne3A_84 = arith.xori %lt3A_81, %lt3A_83 : i1
      %and3A_85 = arith.andi %ne3A_84, %ne3A_79 : i1
      %add3A_86 = arith.addi %rem3A_77, %select_n3A_76 : i32
      %select_n3A_87 = arith.select %and3A_85, %add3A_86, %rem3A_77 : i32
      %eq3A_88 = arith.constant 1 : i32
      %eq3A_89 = arith.cmpi eq, %select_n3A_87, %eq3A_88 : i32
      %convert_element_type3A_90 = arith.extui %eq3A_89 : i1 to i32
      %cond3A_91 = arith.constant 0 : i32
      %cond3A_92 = arith.cmpi ne, %convert_element_type3A_90, %cond3A_91 : i32
      scf.if %cond3A_92 {
        %ge3A = arith.constant 2 : i32
        %ge3A_115 = arith.cmpi sge, %scan3A_58, %ge3A : i32
        %convert_element_type3A_116 = arith.extui %ge3A_115 : i1 to i32
        %cond3A_117 = arith.constant 0 : i32
        %cond3A_118 = arith.cmpi ne, %convert_element_type3A_116, %cond3A_117 : i32
        scf.if %cond3A_118 {
          %dma_wait3A_143 = arith.constant 0 : i32
          %dma_wait3A_144 = arith.constant 0 : i32
          %dma_wait3A_145 = tpu.memref_slice %arg13[%dma_wait3A_143, %dma_wait3A_144] : memref<10240x128xf32, #tpu.memory_space<vmem_shared>> -> memref<10240x128xf32, #tpu.memory_space<vmem_shared>>
          tpu.wait_indirect_dma semaphore(%arg22 : memref<!tpu.dma_semaphore, #tpu.memory_space<semaphore_mem>>) src(%arg12 : memref<80x128xf32, #tpu.memory_space<vmem>>) dst(%dma_wait3A_145 : memref<10240x128xf32, #tpu.memory_space<vmem_shared>>)
        } else {
        }
        %ge3A_119 = arith.constant 1 : i32
        %ge3A_120 = arith.cmpi sge, %scan3A_58, %ge3A_119 : i32
        %add3A_121 = arith.constant 1 : i32
        %add3A_122 = arith.addi %scan3A_58, %add3A_121 : i32
        %lt3A_123 = arith.constant 125 : i32
        %lt3A_124 = arith.cmpi slt, %add3A_122, %lt3A_123 : i32
        %and3A_125 = arith.andi %ge3A_120, %lt3A_124 : i1
        %convert_element_type3A_126 = arith.extui %and3A_125 : i1 to i32
        %cond3A_127 = arith.constant 0 : i32
        %cond3A_128 = arith.cmpi ne, %convert_element_type3A_126, %cond3A_127 : i32
        scf.if %cond3A_128 {
          %add3A_143 = arith.constant 1 : i32
          %add3A_144 = arith.addi %scan3A_58, %add3A_143 : i32
          %mul3A_145 = arith.constant 80 : i32
          %mul3A_146 = arith.muli %add3A_144, %mul3A_145 : i32
          %dma_start3A_147 = tpu.memref_slice %arg6[%mul3A_146] : memref<10000xi32, #tpu.memory_space<vmem>> -> memref<80xi32, #tpu.memory_space<vmem>>
          %dma_start3A_148 = arith.constant 0 : i32
          %dma_start3A_149 = arith.constant 0 : i32
          %dma_start3A_150 = tpu.memref_slice %arg4[%dma_start3A_148, %dma_start3A_149] : memref<10000x128xf32, #tpu.memory_space<hbm>> -> memref<10000x128xf32, #tpu.memory_space<hbm>>
          tpu.enqueue_indirect_dma source(%dma_start3A_150 : memref<10000x128xf32, #tpu.memory_space<hbm>>) target(%arg12 : memref<80x128xf32, #tpu.memory_space<vmem>>) offsets(%dma_start3A_147 : memref<80xi32, #tpu.memory_space<vmem>>) semaphore(%arg16 : memref<!tpu.dma_semaphore, #tpu.memory_space<semaphore_mem>>)
          %mul3A_151 = arith.constant 80 : i32
          %mul3A_152 = arith.muli %add3A_144, %mul3A_151 : i32
          %add3A_153 = arith.addi %mul3A_2, %mul3A_152 : i32
          %dma_start3A_154 = tpu.memref_slice %arg3[%add3A_153] : memref<320000xi32, #tpu.memory_space<hbm>> -> memref<80xi32, #tpu.memory_space<hbm>>
          %dma_start3A_155 = tpu.memref_slice %arg3[%add3A_153] : memref<320000xi32, #tpu.memory_space<hbm>> -> memref<80xi32, #tpu.memory_space<hbm>>
          tpu.enqueue_dma source(%dma_start3A_155 : memref<80xi32, #tpu.memory_space<hbm>>) target(%arg9 : memref<80xi32, #tpu.memory_space<vmem>>) target_semaphore(%arg19 : memref<!tpu.dma_semaphore, #tpu.memory_space<semaphore_mem>>)
        } else {
        }
        %mul3A_129 = arith.constant 80 : i32
        %mul3A_130 = arith.muli %scan3A_58, %mul3A_129 : i32
        %dma_wait3A_131 = tpu.memref_slice %arg6[%mul3A_130] : memref<10000xi32, #tpu.memory_space<vmem>> -> memref<80xi32, #tpu.memory_space<vmem>>
        %dma_wait3A_132 = arith.constant 0 : i32
        %dma_wait3A_133 = arith.constant 0 : i32
        %dma_wait3A_134 = tpu.memref_slice %arg4[%dma_wait3A_132, %dma_wait3A_133] : memref<10000x128xf32, #tpu.memory_space<hbm>> -> memref<10000x128xf32, #tpu.memory_space<hbm>>
        tpu.wait_indirect_dma semaphore(%arg15 : memref<!tpu.dma_semaphore, #tpu.memory_space<semaphore_mem>>) src(%dma_wait3A_134 : memref<10000x128xf32, #tpu.memory_space<hbm>>) dst(%arg11 : memref<80x128xf32, #tpu.memory_space<vmem>>)
        %mul3A_135 = arith.constant 80 : i32
        %mul3A_136 = arith.muli %scan3A_58, %mul3A_135 : i32
        %add3A_137 = arith.addi %mul3A_2, %mul3A_136 : i32
        %dma_wait3A_138 = tpu.memref_slice %arg3[%add3A_137] : memref<320000xi32, #tpu.memory_space<hbm>> -> memref<80xi32, #tpu.memory_space<hbm>>
        %dma_wait3A_139 = tpu.memref_slice %arg3[%add3A_137] : memref<320000xi32, #tpu.memory_space<hbm>> -> memref<80xi32, #tpu.memory_space<hbm>>
        tpu.wait_dma2 semaphore(%arg18 : memref<!tpu.dma_semaphore, #tpu.memory_space<semaphore_mem>>) src(%dma_wait3A_139 : memref<80xi32, #tpu.memory_space<hbm>>) dst(%arg8 : memref<80xi32, #tpu.memory_space<vmem>>)
        %dma_start3A_140 = arith.constant 0 : i32
        %dma_start3A_141 = arith.constant 0 : i32
        %dma_start3A_142 = tpu.memref_slice %arg13[%dma_start3A_140, %dma_start3A_141] : memref<10240x128xf32, #tpu.memory_space<vmem_shared>> -> memref<10240x128xf32, #tpu.memory_space<vmem_shared>>
        tpu.enqueue_indirect_dma source(%arg11 : memref<80x128xf32, #tpu.memory_space<vmem>>) target(%dma_start3A_142 : memref<10240x128xf32, #tpu.memory_space<vmem_shared>>) offsets(%arg8 : memref<80xi32, #tpu.memory_space<vmem>>) semaphore(%arg21 : memref<!tpu.dma_semaphore, #tpu.memory_space<semaphore_mem>>) {add = true}
      } else {
      }
      %jit3A_93 = arith.constant 3 : i32
      %eq3A_94 = arith.constant 0 : i32
      %eq3A_95 = arith.cmpi eq, %jit3A_93, %eq3A_94 : i32
      %jit3A_96 = arith.constant 1 : i32
      %select_n3A_97 = arith.select %eq3A_95, %jit3A_96, %jit3A_93 : i32
      %rem3A_98 = arith.remsi %scan3A_58, %select_n3A_97 : i32
      %ne3A_99 = arith.constant 0 : i32
      %ne3A_100 = arith.cmpi ne, %rem3A_98, %ne3A_99 : i32
      %lt3A_101 = arith.constant 0 : i32
      %lt3A_102 = arith.cmpi slt, %rem3A_98, %lt3A_101 : i32
      %lt3A_103 = arith.constant 0 : i32
      %lt3A_104 = arith.cmpi slt, %select_n3A_97, %lt3A_103 : i32
      %ne3A_105 = arith.xori %lt3A_102, %lt3A_104 : i1
      %and3A_106 = arith.andi %ne3A_105, %ne3A_100 : i1
      %add3A_107 = arith.addi %rem3A_98, %select_n3A_97 : i32
      %select_n3A_108 = arith.select %and3A_106, %add3A_107, %rem3A_98 : i32
      %eq3A_109 = arith.constant 2 : i32
      %eq3A_110 = arith.cmpi eq, %select_n3A_108, %eq3A_109 : i32
      %convert_element_type3A_111 = arith.extui %eq3A_110 : i1 to i32
      %cond3A_112 = arith.constant 0 : i32
      %cond3A_113 = arith.cmpi ne, %convert_element_type3A_111, %cond3A_112 : i32
      scf.if %cond3A_113 {
        %ge3A = arith.constant 2 : i32
        %ge3A_115 = arith.cmpi sge, %scan3A_58, %ge3A : i32
        %convert_element_type3A_116 = arith.extui %ge3A_115 : i1 to i32
        %cond3A_117 = arith.constant 0 : i32
        %cond3A_118 = arith.cmpi ne, %convert_element_type3A_116, %cond3A_117 : i32
        scf.if %cond3A_118 {
          %dma_wait3A_143 = arith.constant 0 : i32
          %dma_wait3A_144 = arith.constant 0 : i32
          %dma_wait3A_145 = tpu.memref_slice %arg13[%dma_wait3A_143, %dma_wait3A_144] : memref<10240x128xf32, #tpu.memory_space<vmem_shared>> -> memref<10240x128xf32, #tpu.memory_space<vmem_shared>>
          tpu.wait_indirect_dma semaphore(%arg20 : memref<!tpu.dma_semaphore, #tpu.memory_space<semaphore_mem>>) src(%arg10 : memref<80x128xf32, #tpu.memory_space<vmem>>) dst(%dma_wait3A_145 : memref<10240x128xf32, #tpu.memory_space<vmem_shared>>)
        } else {
        }
        %ge3A_119 = arith.constant 1 : i32
        %ge3A_120 = arith.cmpi sge, %scan3A_58, %ge3A_119 : i32
        %add3A_121 = arith.constant 1 : i32
        %add3A_122 = arith.addi %scan3A_58, %add3A_121 : i32
        %lt3A_123 = arith.constant 125 : i32
        %lt3A_124 = arith.cmpi slt, %add3A_122, %lt3A_123 : i32
        %and3A_125 = arith.andi %ge3A_120, %lt3A_124 : i1
        %convert_element_type3A_126 = arith.extui %and3A_125 : i1 to i32
        %cond3A_127 = arith.constant 0 : i32
        %cond3A_128 = arith.cmpi ne, %convert_element_type3A_126, %cond3A_127 : i32
        scf.if %cond3A_128 {
          %add3A_143 = arith.constant 1 : i32
          %add3A_144 = arith.addi %scan3A_58, %add3A_143 : i32
          %mul3A_145 = arith.constant 80 : i32
          %mul3A_146 = arith.muli %add3A_144, %mul3A_145 : i32
          %dma_start3A_147 = tpu.memref_slice %arg6[%mul3A_146] : memref<10000xi32, #tpu.memory_space<vmem>> -> memref<80xi32, #tpu.memory_space<vmem>>
          %dma_start3A_148 = arith.constant 0 : i32
          %dma_start3A_149 = arith.constant 0 : i32
          %dma_start3A_150 = tpu.memref_slice %arg4[%dma_start3A_148, %dma_start3A_149] : memref<10000x128xf32, #tpu.memory_space<hbm>> -> memref<10000x128xf32, #tpu.memory_space<hbm>>
          tpu.enqueue_indirect_dma source(%dma_start3A_150 : memref<10000x128xf32, #tpu.memory_space<hbm>>) target(%arg10 : memref<80x128xf32, #tpu.memory_space<vmem>>) offsets(%dma_start3A_147 : memref<80xi32, #tpu.memory_space<vmem>>) semaphore(%arg14 : memref<!tpu.dma_semaphore, #tpu.memory_space<semaphore_mem>>)
          %mul3A_151 = arith.constant 80 : i32
          %mul3A_152 = arith.muli %add3A_144, %mul3A_151 : i32
          %add3A_153 = arith.addi %mul3A_2, %mul3A_152 : i32
          %dma_start3A_154 = tpu.memref_slice %arg3[%add3A_153] : memref<320000xi32, #tpu.memory_space<hbm>> -> memref<80xi32, #tpu.memory_space<hbm>>
          %dma_start3A_155 = tpu.memref_slice %arg3[%add3A_153] : memref<320000xi32, #tpu.memory_space<hbm>> -> memref<80xi32, #tpu.memory_space<hbm>>
          tpu.enqueue_dma source(%dma_start3A_155 : memref<80xi32, #tpu.memory_space<hbm>>) target(%arg7 : memref<80xi32, #tpu.memory_space<vmem>>) target_semaphore(%arg17 : memref<!tpu.dma_semaphore, #tpu.memory_space<semaphore_mem>>)
        } else {
        }
        %mul3A_129 = arith.constant 80 : i32
        %mul3A_130 = arith.muli %scan3A_58, %mul3A_129 : i32
        %dma_wait3A_131 = tpu.memref_slice %arg6[%mul3A_130] : memref<10000xi32, #tpu.memory_space<vmem>> -> memref<80xi32, #tpu.memory_space<vmem>>
        %dma_wait3A_132 = arith.constant 0 : i32
        %dma_wait3A_133 = arith.constant 0 : i32
        %dma_wait3A_134 = tpu.memref_slice %arg4[%dma_wait3A_132, %dma_wait3A_133] : memref<10000x128xf32, #tpu.memory_space<hbm>> -> memref<10000x128xf32, #tpu.memory_space<hbm>>
        tpu.wait_indirect_dma semaphore(%arg16 : memref<!tpu.dma_semaphore, #tpu.memory_space<semaphore_mem>>) src(%dma_wait3A_134 : memref<10000x128xf32, #tpu.memory_space<hbm>>) dst(%arg12 : memref<80x128xf32, #tpu.memory_space<vmem>>)
        %mul3A_135 = arith.constant 80 : i32
        %mul3A_136 = arith.muli %scan3A_58, %mul3A_135 : i32
        %add3A_137 = arith.addi %mul3A_2, %mul3A_136 : i32
        %dma_wait3A_138 = tpu.memref_slice %arg3[%add3A_137] : memref<320000xi32, #tpu.memory_space<hbm>> -> memref<80xi32, #tpu.memory_space<hbm>>
        %dma_wait3A_139 = tpu.memref_slice %arg3[%add3A_137] : memref<320000xi32, #tpu.memory_space<hbm>> -> memref<80xi32, #tpu.memory_space<hbm>>
        tpu.wait_dma2 semaphore(%arg19 : memref<!tpu.dma_semaphore, #tpu.memory_space<semaphore_mem>>) src(%dma_wait3A_139 : memref<80xi32, #tpu.memory_space<hbm>>) dst(%arg9 : memref<80xi32, #tpu.memory_space<vmem>>)
        %dma_start3A_140 = arith.constant 0 : i32
        %dma_start3A_141 = arith.constant 0 : i32
        %dma_start3A_142 = tpu.memref_slice %arg13[%dma_start3A_140, %dma_start3A_141] : memref<10240x128xf32, #tpu.memory_space<vmem_shared>> -> memref<10240x128xf32, #tpu.memory_space<vmem_shared>>
        tpu.enqueue_indirect_dma source(%arg12 : memref<80x128xf32, #tpu.memory_space<vmem>>) target(%dma_start3A_142 : memref<10240x128xf32, #tpu.memory_space<vmem_shared>>) offsets(%arg9 : memref<80xi32, #tpu.memory_space<vmem>>) semaphore(%arg22 : memref<!tpu.dma_semaphore, #tpu.memory_space<semaphore_mem>>) {add = true}
      } else {
      }
      %scan3A_114 = arith.constant 0 : i32
      scf.yield %scan3A_114 : i32
    }
    %scan3A_51 = arith.constant 125 : i32
    %dma_wait3A = arith.constant 0 : i32
    %dma_wait3A_52 = arith.constant 0 : i32
    %dma_wait3A_53 = tpu.memref_slice %arg13[%dma_wait3A, %dma_wait3A_52] : memref<10240x128xf32, #tpu.memory_space<vmem_shared>> -> memref<10240x128xf32, #tpu.memory_space<vmem_shared>>
    tpu.wait_indirect_dma semaphore(%arg20 : memref<!tpu.dma_semaphore, #tpu.memory_space<semaphore_mem>>) src(%arg10 : memref<80x128xf32, #tpu.memory_space<vmem>>) dst(%dma_wait3A_53 : memref<10240x128xf32, #tpu.memory_space<vmem_shared>>)
    %dma_wait3A_54 = arith.constant 0 : i32
    %dma_wait3A_55 = arith.constant 0 : i32
    %dma_wait3A_56 = tpu.memref_slice %arg13[%dma_wait3A_54, %dma_wait3A_55] : memref<10240x128xf32, #tpu.memory_space<vmem_shared>> -> memref<10240x128xf32, #tpu.memory_space<vmem_shared>>
    tpu.wait_indirect_dma semaphore(%arg21 : memref<!tpu.dma_semaphore, #tpu.memory_space<semaphore_mem>>) src(%arg11 : memref<80x128xf32, #tpu.memory_space<vmem>>) dst(%dma_wait3A_56 : memref<10240x128xf32, #tpu.memory_space<vmem_shared>>)
    %barrier3A_57 = arith.constant 0 : index
    tpu.barrier barrier_id(%barrier3A_57)
    "tpu.region"() ({
      %run_scoped3A = tpu.sem_alloc : memref<!tpu.dma_semaphore, #tpu.memory_space<semaphore_mem>>
      %dma_start3A_58 = arith.constant 0 : i32
      %dma_start3A_59 = tpu.memref_slice %arg5[%arg0, %mul3A_11, %dma_start3A_58] : memref<2x10240x128xf32, #tpu.memory_space<hbm>> -> memref<1x640x128xf32, #tpu.memory_space<hbm>>
      %dma_start3A_60 = tpu.memref_squeeze %dma_start3A_59 : memref<1x640x128xf32, #tpu.memory_space<hbm>> -> memref<640x128xf32, #tpu.memory_space<hbm>>
      %dma_start3A_61 = arith.constant 0 : i32
      %dma_start3A_62 = tpu.memref_slice %arg13[%mul3A_11, %dma_start3A_61] : memref<10240x128xf32, #tpu.memory_space<vmem_shared>> -> memref<640x128xf32, #tpu.memory_space<vmem_shared>>
      tpu.enqueue_dma source(%dma_start3A_62 : memref<640x128xf32, #tpu.memory_space<vmem_shared>>) target(%dma_start3A_60 : memref<640x128xf32, #tpu.memory_space<hbm>>) target_semaphore(%run_scoped3A : memref<!tpu.dma_semaphore, #tpu.memory_space<semaphore_mem>>)
      %dma_wait3A_63 = arith.constant 0 : i32
      %dma_wait3A_64 = tpu.memref_slice %arg5[%arg0, %mul3A_11, %dma_wait3A_63] : memref<2x10240x128xf32, #tpu.memory_space<hbm>> -> memref<1x640x128xf32, #tpu.memory_space<hbm>>
      %dma_wait3A_65 = tpu.memref_squeeze %dma_wait3A_64 : memref<1x640x128xf32, #tpu.memory_space<hbm>> -> memref<640x128xf32, #tpu.memory_space<hbm>>
      %dma_wait3A_66 = arith.constant 0 : i32
      %dma_wait3A_67 = tpu.memref_slice %arg13[%mul3A_11, %dma_wait3A_66] : memref<10240x128xf32, #tpu.memory_space<vmem_shared>> -> memref<640x128xf32, #tpu.memory_space<vmem_shared>>
      tpu.wait_dma2 semaphore(%run_scoped3A : memref<!tpu.dma_semaphore, #tpu.memory_space<semaphore_mem>>) src(%dma_wait3A_67 : memref<640x128xf32, #tpu.memory_space<vmem_shared>>) dst(%dma_wait3A_65 : memref<640x128xf32, #tpu.memory_space<hbm>>)
      tpu.yield
    }) : () -> ()
    return
  }
}

#map = affine_map<(d0, d1) -> (0)>
module attributes {stable_mosaic.version = 14 : i64} {
  func.func @hist_kernel(%arg0: i32, %arg1: i32, %arg2: memref<320000xi32, #tpu.memory_space<hbm>>, %arg3: memref<320000xf32, #tpu.memory_space<hbm>>, %arg4: memref<10000xi32, #tpu.memory_space<vmem>>, %arg5: memref<10000xf32, #tpu.memory_space<vmem>>) attributes {dimension_semantics = [#tpu.dimension_semantics<core_parallel>, #tpu.dimension_semantics<subcore_parallel>], iteration_bounds = array<i64: 2, 16>, scalar_prefetch = 0 : i64, scratch_operands = 2 : i64, tpu.core_type = #tpu.core_type<sc_vector_subcore>, window_params = [{transform_indices = #map}, {transform_indices = #map}]} {
    %mul3A = arith.constant 16 : i32
    %mul3A_0 = arith.muli %arg0, %mul3A : i32
    %add3A = arith.addi %mul3A_0, %arg1 : i32
    %mul3A_1 = arith.constant 10000 : i32
    %mul3A_2 = arith.muli %add3A, %mul3A_1 : i32
    "tpu.region"() ({
      %run_scoped3A = tpu.sem_alloc : memref<!tpu.dma_semaphore, #tpu.memory_space<semaphore_mem>>
      %dma_start3A = tpu.memref_slice %arg2[%mul3A_2] : memref<320000xi32, #tpu.memory_space<hbm>> -> memref<10000xi32, #tpu.memory_space<hbm>>
      %dma_start3A_21 = tpu.memref_slice %arg2[%mul3A_2] : memref<320000xi32, #tpu.memory_space<hbm>> -> memref<10000xi32, #tpu.memory_space<hbm>>
      tpu.enqueue_dma source(%dma_start3A_21 : memref<10000xi32, #tpu.memory_space<hbm>>) target(%arg4 : memref<10000xi32, #tpu.memory_space<vmem>>) target_semaphore(%run_scoped3A : memref<!tpu.dma_semaphore, #tpu.memory_space<semaphore_mem>>)
      %dma_wait3A = tpu.memref_slice %arg2[%mul3A_2] : memref<320000xi32, #tpu.memory_space<hbm>> -> memref<10000xi32, #tpu.memory_space<hbm>>
      %dma_wait3A_22 = tpu.memref_slice %arg2[%mul3A_2] : memref<320000xi32, #tpu.memory_space<hbm>> -> memref<10000xi32, #tpu.memory_space<hbm>>
      tpu.wait_dma2 semaphore(%run_scoped3A : memref<!tpu.dma_semaphore, #tpu.memory_space<semaphore_mem>>) src(%dma_wait3A_22 : memref<10000xi32, #tpu.memory_space<hbm>>) dst(%arg4 : memref<10000xi32, #tpu.memory_space<vmem>>)
      tpu.yield
    }) : () -> ()
    %broadcast_in_dim3A = arith.constant 0.000000e+00 : f32
    %broadcast_in_dim3A_3 = vector.broadcast %broadcast_in_dim3A : f32 to vector<16xf32>
    %scan3A = arith.constant 0 : i32
    %scan3A_4 = arith.constant 0 : i32
    %scan3A_5 = arith.constant 625 : i32
    %scan3A_6 = arith.addi %scan3A_4, %scan3A_5 : i32
    %scan3A_7 = arith.constant 1 : i32
    %scan3A_8 = scf.for %scan3A_21 = %scan3A_4 to %scan3A_6 step %scan3A_7 iter_args(%scan3A_22 = %scan3A) -> (i32)  : i32 {
      %mul3A_23 = arith.constant 16 : i32
      %mul3A_24 = arith.muli %scan3A_21, %mul3A_23 : i32
      %swap3A = arith.index_cast %mul3A_24 : i32 to index
      %swap3A_25 = tpu.vector_load %arg5[%swap3A] {strides = array<i32>} : memref<10000xf32, #tpu.memory_space<vmem>>, vector<16xf32>,
      tpu.vector_store %arg5[%swap3A], %broadcast_in_dim3A_3 {strides = array<i32>} : memref<10000xf32, #tpu.memory_space<vmem>>, vector<16xf32>,
      %scan3A_26 = arith.constant 0 : i32
      scf.yield %scan3A_26 : i32
    }
    %scan3A_9 = arith.constant 625 : i32
    %broadcast_in_dim3A_10 = arith.constant 1.000000e+00 : f32
    %broadcast_in_dim3A_11 = vector.broadcast %broadcast_in_dim3A_10 : f32 to vector<16xf32>
    %scan3A_12 = arith.constant 0 : i32
    %scan3A_13 = arith.constant 0 : i32
    %scan3A_14 = arith.constant 625 : i32
    %scan3A_15 = arith.addi %scan3A_13, %scan3A_14 : i32
    %scan3A_16 = arith.constant 1 : i32
    %scan3A_17 = scf.for %scan3A_21 = %scan3A_13 to %scan3A_15 step %scan3A_16 iter_args(%scan3A_22 = %scan3A_12) -> (i32)  : i32 {
      %mul3A_23 = arith.constant 16 : i32
      %mul3A_24 = arith.muli %scan3A_21, %mul3A_23 : i32
      %get3A = arith.index_cast %mul3A_24 : i32 to index
      %get3A_25 = tpu.vector_load %arg4[%get3A] {strides = array<i32>} : memref<10000xi32, #tpu.memory_space<vmem>>, vector<16xi32>,
      tpu.vector_store_idx %arg5[%get3A_25], %broadcast_in_dim3A_11 {add = true} : memref<10000xf32, #tpu.memory_space<vmem>>[vector<16xi32>], vector<16xf32>,
      %scan3A_26 = arith.constant 0 : i32
      scf.yield %scan3A_26 : i32
    }
    %scan3A_18 = arith.constant 625 : i32
    %mul3A_19 = arith.constant 10000 : i32
    %mul3A_20 = arith.muli %add3A, %mul3A_19 : i32
    "tpu.region"() ({
      %run_scoped3A = tpu.sem_alloc : memref<!tpu.dma_semaphore, #tpu.memory_space<semaphore_mem>>
      %dma_start3A = tpu.memref_slice %arg3[%mul3A_20] : memref<320000xf32, #tpu.memory_space<hbm>> -> memref<10000xf32, #tpu.memory_space<hbm>>
      %dma_start3A_21 = tpu.memref_slice %arg3[%mul3A_20] : memref<320000xf32, #tpu.memory_space<hbm>> -> memref<10000xf32, #tpu.memory_space<hbm>>
      tpu.enqueue_dma source(%arg5 : memref<10000xf32, #tpu.memory_space<vmem>>) target(%dma_start3A_21 : memref<10000xf32, #tpu.memory_space<hbm>>) target_semaphore(%run_scoped3A : memref<!tpu.dma_semaphore, #tpu.memory_space<semaphore_mem>>)
      %dma_wait3A = tpu.memref_slice %arg3[%mul3A_20] : memref<320000xf32, #tpu.memory_space<hbm>> -> memref<10000xf32, #tpu.memory_space<hbm>>
      %dma_wait3A_22 = tpu.memref_slice %arg3[%mul3A_20] : memref<320000xf32, #tpu.memory_space<hbm>> -> memref<10000xf32, #tpu.memory_space<hbm>>
      tpu.wait_dma2 semaphore(%run_scoped3A : memref<!tpu.dma_semaphore, #tpu.memory_space<semaphore_mem>>) src(%arg5 : memref<10000xf32, #tpu.memory_space<vmem>>) dst(%dma_wait3A_22 : memref<10000xf32, #tpu.memory_space<hbm>>)
      tpu.yield
    }) : () -> ()
    return
  }
}

module attributes {stable_mosaic.version = 14 : i64} {
  func.func @body(%arg0: memref<10000x128xf32, #tpu.memory_space<vmem>>, %arg1: memref<128x128xf32, #tpu.memory_space<vmem>>, %arg2: memref<1x128xf32, #tpu.memory_space<vmem>>, %arg3: memref<128x128xf32, #tpu.memory_space<vmem>>, %arg4: memref<1x128xf32, #tpu.memory_space<vmem>>, %arg5: memref<128x128xf32, #tpu.memory_space<vmem>>, %arg6: memref<10000x128xf32, #tpu.memory_space<vmem>>, %arg7: memref<10000x128xf32, #tpu.memory_space<vmem>>) attributes {dimension_semantics = [], scalar_prefetch = 0 : i64, scratch_operands = 0 : i64, tpu.core_type = #tpu.core_type<tc>} {
    %get3A = arith.constant 0 : index
    %get3A_0 = arith.constant 0 : index
    %get3A_1 = vector.load %arg0[%get3A, %get3A_0] : memref<10000x128xf32, #tpu.memory_space<vmem>>, vector<10000x128xf32>
    %get3A_2 = arith.constant 0 : index
    %get3A_3 = arith.constant 0 : index
    %get3A_4 = vector.load %arg1[%get3A_2, %get3A_3] : memref<128x128xf32, #tpu.memory_space<vmem>>, vector<128x128xf32>
    %dot_general3A = arith.constant dense<0.000000e+00> : vector<10000x128xf32>
    %dot_general3A_5 = tpu.matmul %get3A_1, %get3A_4, %dot_general3A {dimension_numbers = #tpu.dot_dimension_numbers<[1], [0], [0], [1], [0, 0, 1, 1], [], []>, transpose_lhs_hint = false} : vector<10000x128xf32>, vector<128x128xf32>, vector<10000x128xf32> -> vector<10000x128xf32>
    %get3A_6 = arith.constant 0 : index
    %get3A_7 = arith.constant 0 : index
    %get3A_8 = vector.load %arg2[%get3A_6, %get3A_7] : memref<1x128xf32, #tpu.memory_space<vmem>>, vector<1x128xf32>
    %add3A = vector.broadcast %get3A_8 : vector<1x128xf32> to vector<10000x128xf32>
    %add3A_9 = arith.addf %dot_general3A_5, %add3A : vector<10000x128xf32>
    %max3A = arith.constant 0.000000e+00 : f32
    %max3A_10 = vector.broadcast %max3A : f32 to vector<10000x128xf32>
    %max3A_11 = arith.maximumf %add3A_9, %max3A_10 : vector<10000x128xf32>
    %get3A_12 = arith.constant 0 : index
    %get3A_13 = arith.constant 0 : index
    %get3A_14 = vector.load %arg3[%get3A_12, %get3A_13] : memref<128x128xf32, #tpu.memory_space<vmem>>, vector<128x128xf32>
    %dot_general3A_15 = arith.constant dense<0.000000e+00> : vector<10000x128xf32>
    %dot_general3A_16 = tpu.matmul %max3A_11, %get3A_14, %dot_general3A_15 {dimension_numbers = #tpu.dot_dimension_numbers<[1], [0], [0], [1], [0, 0, 1, 1], [], []>, transpose_lhs_hint = false} : vector<10000x128xf32>, vector<128x128xf32>, vector<10000x128xf32> -> vector<10000x128xf32>
    %get3A_17 = arith.constant 0 : index
    %get3A_18 = arith.constant 0 : index
    %get3A_19 = vector.load %arg4[%get3A_17, %get3A_18] : memref<1x128xf32, #tpu.memory_space<vmem>>, vector<1x128xf32>
    %add3A_20 = vector.broadcast %get3A_19 : vector<1x128xf32> to vector<10000x128xf32>
    %add3A_21 = arith.addf %dot_general3A_16, %add3A_20 : vector<10000x128xf32>
    %max3A_22 = arith.constant 0.000000e+00 : f32
    %max3A_23 = vector.broadcast %max3A_22 : f32 to vector<10000x128xf32>
    %max3A_24 = arith.maximumf %add3A_21, %max3A_23 : vector<10000x128xf32>
    %swap3A = arith.constant 0 : index
    %swap3A_25 = arith.constant 0 : index
    %swap3A_26 = vector.load %arg6[%swap3A, %swap3A_25] : memref<10000x128xf32, #tpu.memory_space<vmem>>, vector<10000x128xf32>
    tpu.vector_store %arg6[%swap3A, %swap3A_25], %max3A_24 {strides = array<i32>} : memref<10000x128xf32, #tpu.memory_space<vmem>>, vector<10000x128xf32>,
    %get3A_27 = arith.constant 0 : index
    %get3A_28 = arith.constant 0 : index
    %get3A_29 = vector.load %arg5[%get3A_27, %get3A_28] : memref<128x128xf32, #tpu.memory_space<vmem>>, vector<128x128xf32>
    %dot_general3A_30 = arith.constant dense<0.000000e+00> : vector<10000x128xf32>
    %dot_general3A_31 = tpu.matmul %max3A_24, %get3A_29, %dot_general3A_30 {dimension_numbers = #tpu.dot_dimension_numbers<[1], [0], [0], [1], [0, 0, 1, 1], [], []>, transpose_lhs_hint = false} : vector<10000x128xf32>, vector<128x128xf32>, vector<10000x128xf32> -> vector<10000x128xf32>
    %swap3A_32 = arith.constant 0 : index
    %swap3A_33 = arith.constant 0 : index
    %swap3A_34 = vector.load %arg7[%swap3A_32, %swap3A_33] : memref<10000x128xf32, #tpu.memory_space<vmem>>, vector<10000x128xf32>
    tpu.vector_store %arg7[%swap3A_32, %swap3A_33], %dot_general3A_31 {strides = array<i32>} : memref<10000x128xf32, #tpu.memory_space<vmem>>, vector<10000x128xf32>,
    return
  }
}

module attributes {stable_mosaic.version = 14 : i64} {
  func.func @body(%arg0: memref<10000x128xf32, #tpu.memory_space<vmem>>, %arg1: memref<32x10000xf32, #tpu.memory_space<vmem>>, %arg2: memref<10000x128xf32, #tpu.memory_space<vmem>>) attributes {dimension_semantics = [], scalar_prefetch = 0 : i64, scratch_operands = 0 : i64, tpu.core_type = #tpu.core_type<tc>} {
    %get3A = arith.constant 0 : index
    %get3A_0 = arith.constant 0 : index
    %get3A_1 = vector.load %arg1[%get3A, %get3A_0] : memref<32x10000xf32, #tpu.memory_space<vmem>>, vector<32x10000xf32>
    %reduce_sum3A = arith.constant dense<0.000000e+00> : vector<10000xf32>
    %reduce_sum3A_2 = vector.multi_reduction <add>, %get3A_1, %reduce_sum3A [0] : vector<32x10000xf32> to vector<10000xf32>
    %add3A = arith.constant 1.000000e+00 : f32
    %add3A_3 = vector.broadcast %add3A : f32 to vector<10000xf32>
    %add3A_4 = arith.addf %reduce_sum3A_2, %add3A_3 : vector<10000xf32>
    %rsqrt3A = math.rsqrt %add3A_4 : vector<10000xf32>
    %get3A_5 = arith.constant 0 : index
    %get3A_6 = arith.constant 0 : index
    %get3A_7 = vector.load %arg0[%get3A_5, %get3A_6] : memref<10000x128xf32, #tpu.memory_space<vmem>>, vector<10000x128xf32>
    %broadcast_in_dim3A = vector.shape_cast %rsqrt3A : vector<10000xf32> to vector<10000x1xf32>
    %mul3A = vector.broadcast %broadcast_in_dim3A : vector<10000x1xf32> to vector<10000x128xf32>
    %mul3A_8 = arith.mulf %get3A_7, %mul3A : vector<10000x128xf32>
    %swap3A = arith.constant 0 : index
    %swap3A_9 = arith.constant 0 : index
    %swap3A_10 = vector.load %arg2[%swap3A, %swap3A_9] : memref<10000x128xf32, #tpu.memory_space<vmem>>, vector<10000x128xf32>
    tpu.vector_store %arg2[%swap3A, %swap3A_9], %mul3A_8 {strides = array<i32>} : memref<10000x128xf32, #tpu.memory_space<vmem>>, vector<10000x128xf32>,
    return
  }
}

module attributes {stable_mosaic.version = 14 : i64} {
  func.func @body(%arg0: memref<2x10240x128xf32, #tpu.memory_space<vmem>>, %arg1: memref<10000x128xf32, #tpu.memory_space<vmem>>, %arg2: memref<32x10000xf32, #tpu.memory_space<vmem>>, %arg3: memref<1x128xf32, #tpu.memory_space<vmem>>, %arg4: memref<10000x128xf32, #tpu.memory_space<vmem>>) attributes {dimension_semantics = [], scalar_prefetch = 0 : i64, scratch_operands = 0 : i64, tpu.core_type = #tpu.core_type<tc>} {
    %get3A = arith.constant 0 : index
    %get3A_0 = arith.constant 0 : index
    %get3A_1 = vector.load %arg2[%get3A, %get3A_0] : memref<32x10000xf32, #tpu.memory_space<vmem>>, vector<32x10000xf32>
    %reduce_sum3A = arith.constant dense<0.000000e+00> : vector<10000xf32>
    %reduce_sum3A_2 = vector.multi_reduction <add>, %get3A_1, %reduce_sum3A [0] : vector<32x10000xf32> to vector<10000xf32>
    %add3A = arith.constant 1.000000e+00 : f32
    %add3A_3 = vector.broadcast %add3A : f32 to vector<10000xf32>
    %add3A_4 = arith.addf %reduce_sum3A_2, %add3A_3 : vector<10000xf32>
    %rsqrt3A = math.rsqrt %add3A_4 : vector<10000xf32>
    %get3A_5 = arith.constant 0 : index
    %get3A_6 = arith.constant 0 : index
    %get3A_7 = arith.constant 0 : index
    %get3A_8 = vector.load %arg0[%get3A_5, %get3A_6, %get3A_7] : memref<2x10240x128xf32, #tpu.memory_space<vmem>>, vector<1x10000x128xf32>
    %get3A_9 = vector.shape_cast %get3A_8 : vector<1x10000x128xf32> to vector<10000x128xf32>
    %get3A_10 = arith.constant 1 : index
    %get3A_11 = arith.constant 0 : index
    %get3A_12 = arith.constant 0 : index
    %get3A_13 = vector.load %arg0[%get3A_10, %get3A_11, %get3A_12] : memref<2x10240x128xf32, #tpu.memory_space<vmem>>, vector<1x10000x128xf32>
    %get3A_14 = vector.shape_cast %get3A_13 : vector<1x10000x128xf32> to vector<10000x128xf32>
    %add3A_15 = arith.addf %get3A_9, %get3A_14 : vector<10000x128xf32>
    %get3A_16 = arith.constant 0 : index
    %get3A_17 = arith.constant 0 : index
    %get3A_18 = vector.load %arg1[%get3A_16, %get3A_17] : memref<10000x128xf32, #tpu.memory_space<vmem>>, vector<10000x128xf32>
    %add3A_19 = arith.addf %add3A_15, %get3A_18 : vector<10000x128xf32>
    %broadcast_in_dim3A = vector.shape_cast %rsqrt3A : vector<10000xf32> to vector<10000x1xf32>
    %mul3A = vector.broadcast %broadcast_in_dim3A : vector<10000x1xf32> to vector<10000x128xf32>
    %mul3A_20 = arith.mulf %add3A_19, %mul3A : vector<10000x128xf32>
    %get3A_21 = arith.constant 0 : index
    %get3A_22 = arith.constant 0 : index
    %get3A_23 = vector.load %arg3[%get3A_21, %get3A_22] : memref<1x128xf32, #tpu.memory_space<vmem>>, vector<1x128xf32>
    %add3A_24 = vector.broadcast %get3A_23 : vector<1x128xf32> to vector<10000x128xf32>
    %add3A_25 = arith.addf %mul3A_20, %add3A_24 : vector<10000x128xf32>
    %swap3A = arith.constant 0 : index
    %swap3A_26 = arith.constant 0 : index
    %swap3A_27 = vector.load %arg4[%swap3A, %swap3A_26] : memref<10000x128xf32, #tpu.memory_space<vmem>>, vector<10000x128xf32>
    tpu.vector_store %arg4[%swap3A, %swap3A_26], %add3A_25 {strides = array<i32>} : memref<10000x128xf32, #tpu.memory_space<vmem>>, vector<10000x128xf32>,
    return
  }
}

</mosaic_0001>

<sc_bundles>
// kernel: kernel.10.cloned.1.call-start
scs
__scs_entry_jumppad:
0x0: {  	(pc) =	sbr.rel $0x88, $3  }
0x1: {  	(tag) =	ssettag $0x0;
	lr =	simm.s32 $0x1  }
0x2: {  	[smem:$0x3F99] =	sst lr;
	_ =	strace $0xD0000000  }
0x3: {  	_ = 	snop  }
0x4: {  	_ = 	snop  }
0x5: {  	_ = 	snop  }
0x6: {  	_ = 	snop  }
0x7: {  	_ = 	snop  }
__scs_overlays_trampoline_lowered:
0x8: {  	[smem:$0x3FA8] =	sst s0  }
0x9: {  	[smem:$0x3FA9] =	sst s1  }
0xa: {  	[smem:$0x3FAA] =	sst s2  }
0xb: {  	[smem:$0x3FAB] =	sst s3  }
0xc: {  	[smem:$0x3FAC] =	sst s4  }
0xd: {  	[smem:$0x3FAD] =	sst s5  }
0xe: {  	[smem:$0x3FAE] =	sst s6  }
0xf: {  	[smem:$0x3FAF] =	sst s7  }
0x10: {  	[smem:$0x3FB0] =	sst s8  }
0x11: {  	[smem:$0x3FB1] =	sst s9;
	s0 =	simm.s32 @!p0 $0x0  }
0x12: {  	s1 =	sld [smem:$0x3F97];
	s0 =	simm.s32 @p0 $0x1  }
0x13: {  	[smem:$0x3FB2] =	sst s0;
	s0 =	simm.s32 @!p1 $0x0  }
0x14: {  	s2 =	sld [smem:$0x3F96];
	s0 =	simm.s32 @p1 $0x1  }
0x15: {  	[smem:$0x3FB3] =	sst s0;
	s0 =	simm.s32 @!p2 $0x0  }
0x16: {  	s3 =	sld [smem:$0x3FDB];
	s0 =	simm.s32 @p2 $0x1  }
0x17: {  	s4 =	simm.s32 $0x1BF5;
	[smem:$0x3FB5] =	sst s0  }
0x18: {  	s0 =	sld [smem:$0x3F98];
	_ =	swait.ge [sflag:s4], $0x0  }
0x19: {  	s7 =	sld [smem:$0x3F99]  }
0x1a: {  	s8 =	sadd.s32 $0xFFFFE003, lr  }
0x1b: {  	s9 =	sadd.s32 $0xFFFFFEF7, lr;
	s5 =	simm.s32 $0xFFFFFFFF;
	p2 =	slt.u32 s8, $0xFFFFF086  }
0x1c: {  	p1 =	slt.u32 s9, $0xF7A;
	s5 =	simm.s32 @!p2 $0x0  }
0x1d: {  	s5 =	simm.s32 @p1 $0x1;
	p0 =	seq.s32 s7, s2  }
0x1e: {  	s7 =	smul.u32 @!p0 $0xF7A, s2;
	p2 =	seq.s32 @!p0 s5, $0x0  }
0x1f: {  	s9 =	smul.u32 $0xF7A, s1;
	s8 =	simm.s32 @!p0 $0x1BF5;
	p2 =	por !p2, p0  }
0x20: {  	[sflag:s8] =	ssyncset.s32 @!p0 $0xFFFFF086;
	s6 =	sadd.s32 @!p0 s3, s7;
	s7 =	simm.s32 @!p0 $0x108  }
0x21: {  	s3 =	sadd.s32 s3, s9;
	s6 =	sadd.s32 @!p0 $0x88, s6;
	s7 =	simm.s32 @p2 $0x1082  }
0x22: {  	[simem:s7], [sflag:s8] =	dma.local @!p0 [hbm:s6], $0xF7A  }
0x23: {  	s9 =	sor.u32 $0xD0000000, s2;
	s6 =	simm.s32 $0x108;
	_ =	swait.ge @!p0 [sflag:s8], $0x0  }
0x24: {  	s3 =	sadd.s32 $0x88, s3;
	s6 =	simm.s32 @!p1 $0x1082;
	[sflag:s4] =	ssyncset.s32 $0xFFFFF086  }
0x25: {  	[simem:s6], [sflag:s4] =	dma.local [hbm:s3], $0xF7A  }
0x26: {  	[smem:$0x3F99] =	sst s1;
	(tag) =	ssettag s2;
	_ =	strace s9  }
0x27: {  	s1 =	sld [smem:$0x3FA9]  }
0x28: {  	s2 =	sld [smem:$0x3FAA]  }
0x29: {  	s4 =	sld [smem:$0x3FAC]  }
0x2a: {  	p0 =	seq.s32 s5, $0x0;
	s5 =	sld [smem:$0x3FAD]  }
0x2b: {  	s6 =	sld [smem:$0x3FAE]  }
0x2c: {  	s7 =	sld [smem:$0x3FAF]  }
0x2d: {  	s3 =	simm.s32 $0x108;
	s8 =	sld [smem:$0x3FB0]  }
0x2e: {  	s3 =	simm.s32 @!p0 $0x1082;
	s9 =	sld [smem:$0x3FB1]  }
0x2f: {  	lr =	sadd.s32 s0, s3;
	s0 =	sld [smem:$0x3FA8]  }
0x30: {  	s3 =	sld [smem:$0x3FAB]  }
0x31: {  	[smem:$0x3FB4] =	sst s10  }
0x32: {  	s10 =	sld [smem:$0x3FB2];
	_ =	sdelay $0x3  }
0x33: {  	p0 =	seq.s32 s10, $0x1;
	s10 =	sld [smem:$0x3FB4];
	_ =	sdelay $0x3  }
0x34: {  	[smem:$0x3FB4] =	sst s10  }
0x35: {  	s10 =	sld [smem:$0x3FB3];
	_ =	sdelay $0x3  }
0x36: {  	p1 =	seq.s32 s10, $0x1;
	s10 =	sld [smem:$0x3FB4];
	_ =	sdelay $0x3  }
0x37: {  	[smem:$0x3FB4] =	sst s10  }
0x38: {  	s10 =	sld [smem:$0x3FB5]  }
0x39: {  	_ = 	snop;
	(pc) =	sbr.ind lr, $3  }
0x3a: {  	_ = 	snop  }
0x3b: {  	_ = 	snop  }
0x3c: {  	p2 =	seq.s32 s10, $0x1;
	s10 =	sld [smem:$0x3FB4]  }
0x3d: {  	_ =	shalt  }
0x3e: {  	_ =	shalt  }
0x3f: {  	_ =	shalt  }
0x40: {  	_ =	shalt  }
0x41: {  	_ =	shalt  }
0x42: {  	_ =	shalt  }
0x43: {  	_ =	shalt  }
0x44: {  	_ =	shalt  }
0x45: {  	_ =	shalt  }
0x46: {  	_ =	shalt  }
0x47: {  	_ =	shalt  }
0x48: {  	_ =	shalt  }
0x49: {  	_ =	shalt  }
0x4a: {  	_ =	shalt  }
0x4b: {  	_ =	shalt  }
0x4c: {  	_ =	shalt  }
0x4d: {  	_ =	shalt  }
0x4e: {  	_ =	shalt  }
0x4f: {  	_ =	shalt  }
0x50: {  	_ =	shalt  }
0x51: {  	_ =	shalt  }
0x52: {  	_ =	shalt  }
0x53: {  	_ =	shalt  }
0x54: {  	_ =	shalt  }
0x55: {  	_ =	shalt  }
0x56: {  	_ =	shalt  }
0x57: {  	_ =	shalt  }
0x58: {  	_ =	shalt  }
0x59: {  	_ =	shalt  }
0x5a: {  	_ =	shalt  }
0x5b: {  	_ =	shalt  }
0x5c: {  	_ =	shalt  }
0x5d: {  	_ =	shalt  }
0x5e: {  	_ =	shalt  }
0x5f: {  	_ =	shalt  }
0x60: {  	_ =	shalt  }
0x61: {  	_ =	shalt  }
0x62: {  	_ =	shalt  }
0x63: {  	_ =	shalt  }
0x64: {  	_ =	shalt  }
0x65: {  	_ =	shalt  }
0x66: {  	_ =	shalt  }
0x67: {  	_ =	shalt  }
0x68: {  	_ =	shalt  }
0x69: {  	_ =	shalt  }
0x6a: {  	_ =	shalt  }
0x6b: {  	_ =	shalt  }
0x6c: {  	_ =	shalt  }
0x6d: {  	_ =	shalt  }
0x6e: {  	_ =	shalt  }
0x6f: {  	_ =	shalt  }
0x70: {  	_ =	shalt  }
0x71: {  	_ =	shalt  }
0x72: {  	_ =	shalt  }
0x73: {  	_ =	shalt  }
0x74: {  	_ =	shalt  }
0x75: {  	_ =	shalt  }
0x76: {  	_ =	shalt  }
0x77: {  	_ =	shalt  }
0x78: {  	_ =	shalt  }
0x79: {  	_ =	shalt  }
0x7a: {  	_ =	shalt  }
0x7b: {  	_ =	shalt  }
0x7c: {  	_ =	shalt  }
0x7d: {  	_ =	shalt  }
0x7e: {  	_ =	shalt  }
0x7f: {  	_ =	shalt  }
0x80: {  	_ =	shalt  }
0x81: {  	_ =	shalt  }
0x82: {  	_ =	shalt  }
0x83: {  	_ =	shalt  }
0x84: {  	_ =	shalt  }
0x85: {  	_ =	shalt  }
0x86: {  	_ =	shalt  }
0x87: {  	_ =	shalt  }
.Lfunc_end0:
.L_simem_size_0:
called_computation.1_lowered:
.L_overlay_start_0:
0x88: {  	s2 =	sld [smem:$0x3FD9]  }
0x89: {  	s3 =	sld [smem:$0x3FFE];
	_ =	sdelay $0x1  }
0x8a: {  	s1 =	srdreg.scid  }
0x8b: {  	s0 =	sand.u32 $0x1, s1  }
0x8c: {  	s14 =	sshll.u32 s0, $0xA;
	s2 =	sadd.s32 s3, s2  }
0x8d: {  	s2 =	sadd.s32 s2, s14  }
0x8e: {  	[smem:$0x3FC0] =	sst s2  }
0x8f: {  	_ = 	snop  }
0x90: {  	s2 =	sld [smem:$0x3FD0];
	_ =	sdelay $0x2  }
0x91: {  	s15 =	simm.s32 $0xA;
	s4 =	simm.s32 $0x10  }
0x92: {  	[smem:s4], [sflag:s15] =	dma.local [hbm:s2], $0x1  }
0x93: {  	_ =	swait.eq [sflag:s15], $0x1  }
0x94: {  	[sflag:s15] =	ssyncset.done $0x0  }
0x95: {  	[sflag:s15] =	ssyncadd.s32 $0xFFFFFFFF  }
0x96: {  	s16 =	sld [smem:$0x11];
	(tm) =	ssettm $0x1  }
0x97: {  	s17 =	sld [smem:$0x3FFB];
	_ =	sdelay $0x3  }
0x98: {  	_ =	strace s17  }
0x99: {  	s3 =	sld [smem:$0x3FFC];
	_ =	sdelay $0x3  }
0x9a: {  	_ =	strace s3  }
0x9b: {  	s3 =	sld [smem:$0x3FFD];
	_ =	sdelay $0x3  }
0x9c: {  	_ =	strace s3  }
0x9d: {  	_ =	strace $0x8FFFFFFF  }
0x9e: {  	s18 =	sld [smem:$0x3FDB];
	_ =	sdelay $0x1  }
0x9f: {  	s19 =	simm.s32 $_scs_section_size  }
0xa0: {  	s5 =	simm.s32 $_size__tile_overlayer_lowered;
	s6 =	simm.s32 $_tile_overlayer_lowered  }
0xa1: {  	s22 =	simm.s32 $0x1BFF;
	s21 =	sshll.u32 s6, $0x1;
	s3 =	sadd.s32 s19, s18  }
0xa2: {  	s7 =	simm.s32 $0x0;
	s20 =	sshll.u32 s5, $0x1;
	s5 =	sadd.s32 s21, s3  }
0xa3: {  	[timem:s7], [sflag:s22] =	dma.local [hbm:s5], s20  }
0xa4: {  	_ =	swait.ge [sflag:s22], s20  }
0xa5: {  	s4 =	ssub.s32 $0x0, s20;
	[sflag:s22] =	ssyncset.done $0x0  }
0xa6: {  	[sflag:s22] =	ssyncadd.s32 s4;
	_ =	sdelay $0x1  }
0xa7: {  	s23 =	simm.s32 $0x1B8B  }
0xa8: {  	_ =	swait.ge [sflag:s23], $0x1  }
0xa9: {  	[sflag:s23] =	ssyncset.done $0x0  }
0xaa: {  	s25 =	simm.s32 $0x1B8E;
	s24 =	sld [smem:$0x3FFE];
	[sflag:s23] =	ssyncadd.s32 $0xFFFFFFFF  }
0xab: {  	s26 =	simm.s32 $execute0_lowered;
	[smem:$0x3FD2] =	sst s25  }
0xac: {  	s5 =	sshll.u32 s26, $0x1;
	_ =	strace $0x80000049;
	[dreg:$0x1] =	wrdreg $0xFFFFFFFF  }
0xad: {  	s28 =	simm.s32 $_size_execute0_lowered;
	s3 =	sadd.s32 s3, s5;
	[dreg:$0x0] =	wrdreg $0x0  }
0xae: {  	s5 =	sshll.u32 s28, $0x1;
	[dreg:$0x2] =	wrdreg s3  }
0xaf: {  	[dreg:$0x3] =	wrdreg s5  }
0xb0: {  	[dreg:$0x4] =	wrdreg $0xC0  }
0xb1: {  	_ =	task [dreg:s7], $0x5FFFF  }
0xb2: {  	[dreg:$0x1] =	wrdreg $0xFFFFFFFF  }
0xb3: {  	[dreg:$0x0] =	wrdreg $0x60  }
0xb4: {  	[dreg:$0x2] =	wrdreg s24  }
0xb5: {  	[dreg:$0x3] =	wrdreg s16  }
0xb6: {  	[dreg:$0x4] =	wrdreg $0xA1000  }
0xb7: {  	[dreg:$0x5] =	wrdreg $0x9  }
0xb8: {  	_ =	task.clear_ibuf [dreg:s7], $0x6FFFF;
	_ =	strace $0x90000049  }
0xb9: {  	s29 =	simm.s32 $0x9;
	_ =	strace $0x8000004B  }
0xba: {  	_ =	swait.ge [sflag:s29], $0x1  }
0xbb: {  	[sflag:s29] =	ssyncadd.s32 $0xFFFFFFFF  }
0xbc: {  	_ =	strace $0x9000004B  }
0xbd: {  	_ =	sfence  }
0xbe: {  	s30 =	sld [smem:$0x0];
	_ =	sdelay $0x2  }
0xbf: {  	s31 =	sshll.u32 s1, $0xD;
	s1 =	sshrl.u32 s1, $0x2  }
0xc0: {  	s3 =	sand.u32 $0x4000, s31;
	s1 =	sadd.s32 s1, s30  }
0xc1: {  	s0 =	sor.u32 s3, s0;
	s1 =	sshll.u32 s1, $0x11  }
0xc2: {  	s0 =	sor.u32 s1, s0  }
0xc3: {  	s0 =	sadd.s32 $0x8F2B, s0  }
0xc4: {  	[sflag:s0] =	ssyncadd.remote.s32 $0x1  }
0xc5: {  	_ =	sfence.sel $0xFFFF  }
0xc6: {  	[dreg:$0x0] =	wrdreg $0xFFFFFFFF;
	(pc) =	sbr.abs _section_cstart, $3  }
0xc7: {  	[dreg:$0x1] =	wrdreg $0xFFFFFFFF  }
0xc8: {  	_ =	task.clear_ibuf [dreg:s7], $0x2FFFF;
	_ =	strace $0x9FFFFFFF  }
0xc9: {  	(tm) =	ssettm $0x7FFFFFFF  }
tec
execute0_lowered:
.L_overlay_start_1:
0x0: {  	(tag) =	ssettag $0x1  }
0x1: {  	s0 =	srdreg.scid  }
0x2: {  	s1 =	rddreg [dreg:$0x0];
	s11 =	stileid.u32  }
0x3: {  	s2 =	rddreg [dreg:$0x1];
	s5 =	simm.s32 $0x0;
	s28 =	simm.s32 $0x6  }
0x4: {  	s29 =	simm.s32 $0x50;
	s30 =	simm.s32 $0x2880;
	s7 =	smul.u32 $0x14000, s11  }
0x5: {  	s31 =	simm.s32 $0x7900;
	s0 =	sand.u32 $0x1, s0;
	s9 =	smul.u32 $0x50000, s11  }
0x6: {  	[smem:$0x7FF] =	sst s5;
	s5 =	sadd.s32 $0x2200, s1;
	s24 =	smul.u32 $0x2710, s11  }
0x7: {  	s3 =	sshll.u32 s0, $0x4;
	s6 =	smul.u32 $0x140000, s0;
	s18 =	ssub.s32 $0x2, s0  }
0x8: {  	s0 =	smul.u32 $0x27100, s0;
	s4 =	sor.u32 s11, s3;
	s3 =	rddreg [dreg:$0x2]  }
0x9: {  	_ =	strace $0x8000004A;
	s10 =	sshrl.u32 s18, $0x1;
	s4 =	smul.u32 $0x2710, s4  }
0xa: {  	s9 =	sshrl.u32 s9, $0x2;
	s6 =	sadd.s32 s7, s6;
	s7 =	ssub.s32 s18, s10  }
0xb: {  	s0 =	sadd.s32 s24, s0;
	s6 =	sshrl.u32 s6, $0x3;
	s4 =	sshrl.u32 s4, $0x3  }
0xc: {  	s8 =	sadd.s32 s4, s1;
	s1 =	sadd.s32 s6, s1;
	s6 =	sadd.s32 s9, s3  }
0xd: {  	s24 =	simm.s32 $0x2800;
	s18 =	smax.u32 s7, $0x1;
	s9 =	sadd.s32 $0x2800, s6  }
0xe: {  	s12 =	sadd.s32 $0x50, s0;
	s19 =	sadd.s32 $0x5000, s6;
	[dreg:$0x4] =	wrdreg s9  }
0xf: {  	s0 =	simm.s32 $0x2;
	s20 =	sadd.s32 $0x7800, s6;
	[dreg:$0x5] =	wrdreg s19  }
0x10: {  	s7 =	simm.s32 $0x1;
	s21 =	sadd.s32 $0xA000, s6;
	[dreg:$0x6] =	wrdreg s20  }
0x11: {  	s13 =	sadd.s32 s5, s4;
	s22 =	sadd.s32 $0xC800, s6;
	[dreg:$0x7] =	wrdreg s21  }
0x12: {  	s4 =	simm.s32 $0x5;
	s23 =	sadd.s32 $0xF000, s6;
	[dreg:$0x8] =	wrdreg s22  }
0x13: {  	s25 =	sadd.s32 $0x11800, s6;
	s8 =	sadd.s32 $0xC000, s8;
	[dreg:$0x9] =	wrdreg s23  }
.Ltmp0:
0x14: {  	s26 =	sadd.s32 $0xA, s13;
	[dreg:$0xa] =	wrdreg s25;
	(pc) =	sbr.rel .LBB2_1-.Ltmp0, $4  }
0x15: {  	s17 =	sadd.s32 $0x15E00, s1;
	s1 =	simm.s32 $0x8;
	[dreg:$0xb] =	wrdreg s8  }
0x16: {  	[dreg:$0xc] =	wrdreg s26;
	s20 =	simm.s32 $0x2900;
	s21 =	simm.s32 $0xA  }
0x17: {  	s22 =	simm.s32 $0x2780;
	s23 =	simm.s32 $0x5100;
	s25 =	simm.s32 $0x7  }
0x18: {  	v0 =	vimm.f32 $0.0e+00;
	s26 =	simm.s32 $0x3;
	s8 =	simm.s32 $0x4;
	s9 =	simm.s32 $0x0  }
.LBB2_10:
0x19: {  	_ =	swait.ge [sflag:s25], $0x2800  }
0x1a: {  	[sflag:s25] =	ssyncset.done $0x0  }
0x1b: {  	[sflag:s25] =	ssyncadd.s32 $0xFFFFD800  }
0x1c: {  	s10 =	stileid.u32;
	_ =	swait.ge [sflag:s1], $0x2800  }
0x1d: {  	s11 =	sshrl.u32 s6, $0x3;
	s9 =	sadd.s32 $0x1, s9;
	[sflag:s1] =	ssyncset.done $0x0  }
0x1e: {  	s10 =	sshll.u32 s10, $0x6;
	p0 =	sne.s32 s9, s18;
	[sflag:s1] =	ssyncadd.s32 $0xFFFFD800  }
.Ltmp1:
0x1f: {  	s10 =	sor.u32 $0x1C0A, s10;
	[bflag:$0x0] =	sbarrier.arrive $0xFFFF;
	(pc) =	sbr.rel @!p0 .LBB2_11-.Ltmp1, $4  }
0x20: {  	[hbm:s17], [sflag:s10] =	dma.local [spmem:s11], $0x2800  }
0x21: {  	_ =	swait.ge [sflag:s21], $0x2800  }
0x22: {  	[sflag:s21] =	ssyncset.done $0x0  }
0x23: {  	[sflag:s21] =	ssyncadd.s32 $0xFFFFD800  }
.LBB2_1:
0x24: {  	s11 =	simm.s32 $0x0  }
0x25: {  	s10 =	sand.u32 $0xFE00, s11  }
0x26: {  	s11 =	sand.u32 $0x70, s11;
	s14 =	sshrl.u32 s10, $0x2  }
0x27: {  	s10 =	simm.s32 $0x40;
	s19 =	sor.u32 s11, s14;
	s11 =	simm.s32 $0x0  }
.LBB2_2:
0x28: {  	p0 =	sne.s32 s10, $0x9FC0  }
0x29: {  	[tilespmem:s19+$0x2900] =	vst v0;
	s11 =	sadd.s32 $0x10, s11;
	s14 =	smov.u32 s10;
	s10 =	sadd.s32 $0x40, s10  }
.Ltmp2:
0x2a: {  	(pc) =	sbr.rel @p0 .LBB2_2-.Ltmp2, $4  }
0x2b: {  	_ = 	snop  }
0x2c: {  	s14 =	sand.u32 $0xFE00, s14  }
0x2d: {  	s19 =	sand.u32 $0x70, s11;
	s14 =	sshrl.u32 s14, $0x2  }
0x2e: {  	s19 =	sor.u32 s19, s14  }
0x2f: {  	[tilespmem:s19+$0x2900] =	vst v0  }
0x30: {  	[spmem:s6] =	stream.linear.scatter [tilespmem:s20], [sflag:$0xA], $0x2800, $0x38;
	[tilespmem:$0x1E100] =	vst v63  }
0x31: {  	_ =	swait.ge [sflag:s21], $0x2800  }
0x32: {  	[sflag:s21] =	ssyncset.done $0x0  }
0x33: {  	s10 =	rddreg [dreg:$0x4];
	[sflag:s21] =	ssyncadd.s32 $0xFFFFD800  }
0x34: {  	[spmem:s10] =	stream.linear.scatter [tilespmem:s20], [sflag:$0xA], $0x2800, $0x38;
	[tilespmem:$0x1E100] =	vst v63  }
0x35: {  	_ =	swait.ge [sflag:s21], $0x2800  }
0x36: {  	[sflag:s21] =	ssyncset.done $0x0  }
0x37: {  	s19 =	rddreg [dreg:$0x5];
	[sflag:s21] =	ssyncadd.s32 $0xFFFFD800  }
0x38: {  	[spmem:s19] =	stream.linear.scatter [tilespmem:s20], [sflag:$0xA], $0x2800, $0x38;
	[tilespmem:$0x1E100] =	vst v63  }
0x39: {  	_ =	swait.ge [sflag:s21], $0x2800  }
0x3a: {  	[sflag:s21] =	ssyncset.done $0x0  }
0x3b: {  	s11 =	rddreg [dreg:$0x6];
	[sflag:s21] =	ssyncadd.s32 $0xFFFFD800  }
0x3c: {  	[spmem:s11] =	stream.linear.scatter [tilespmem:s20], [sflag:$0xA], $0x2800, $0x38;
	[tilespmem:$0x1E100] =	vst v63  }
0x3d: {  	_ =	swait.ge [sflag:s21], $0x2800  }
0x3e: {  	[sflag:s21] =	ssyncset.done $0x0  }
0x3f: {  	s14 =	rddreg [dreg:$0x7];
	[sflag:s21] =	ssyncadd.s32 $0xFFFFD800  }
0x40: {  	[spmem:s14] =	stream.linear.scatter [tilespmem:s20], [sflag:$0xA], $0x2800, $0x38;
	[tilespmem:$0x1E100] =	vst v63  }
0x41: {  	_ =	swait.ge [sflag:s21], $0x2800  }
0x42: {  	[sflag:s21] =	ssyncset.done $0x0  }
0x43: {  	s15 =	rddreg [dreg:$0x8];
	[sflag:s21] =	ssyncadd.s32 $0xFFFFD800  }
0x44: {  	[spmem:s15] =	stream.linear.scatter [tilespmem:s20], [sflag:$0xA], $0x2800, $0x38;
	[tilespmem:$0x1E100] =	vst v63  }
0x45: {  	_ =	swait.ge [sflag:s21], $0x2800  }
0x46: {  	[sflag:s21] =	ssyncset.done $0x0  }
0x47: {  	s16 =	rddreg [dreg:$0x9];
	[sflag:s21] =	ssyncadd.s32 $0xFFFFD800  }
0x48: {  	[spmem:s16] =	stream.linear.scatter [tilespmem:s20], [sflag:$0xA], $0x2800, $0x38;
	[tilespmem:$0x1E100] =	vst v63  }
0x49: {  	_ =	swait.ge [sflag:s21], $0x2800  }
0x4a: {  	[sflag:s21] =	ssyncset.done $0x0  }
0x4b: {  	s19 =	rddreg [dreg:$0xa];
	[sflag:s21] =	ssyncadd.s32 $0xFFFFD800  }
0x4c: {  	[spmem:s19] =	stream.linear.scatter [tilespmem:s20], [sflag:$0xA], $0x2800, $0x38;
	[tilespmem:$0x1E100] =	vst v63  }
0x4d: {  	_ =	swait.ge [sflag:s21], $0x2800  }
0x4e: {  	[sflag:s21] =	ssyncset.done $0x0  }
0x4f: {  	[sflag:s21] =	ssyncadd.s32 $0xFFFFD800  }
0x50: {  	[bflag:$0x0] =	sbarrier.arrive $0xFFFF  }
0x51: {  	s10 =	simm.s32 $0x0;
	s11 =	rddreg [dreg:$0xb]  }
0x52: {  	[tilespmem:s10], [sflag:$0xA] =	stream.linear.gather [hbm4b:s11+s10], $0x2710, $0x38;
	[tilespmem:$0x1E100] =	vst v63  }
0x53: {  	_ =	swait.ge [sflag:s21], $0x2710  }
0x54: {  	[sflag:s21] =	ssyncset.done $0x0  }
0x55: {  	s11 =	simm.s32 $0x50;
	[sflag:s21] =	ssyncadd.s32 $0xFFFFD8F0  }
0x56: {  	[tilespmem:s20], [sflag:$0x1] =	stream.indirect.gather [hbm4b:s2+s11], $0x80, s10, s11, $0xb8;
	[tilespmem:$0x1E100] =	vst v63  }
0x57: {  	_ = 	snop  }
0x58: {  	[tilespmem:s22], [sflag:$0x4] =	stream.linear.gather [hbm4b:s13+s10], $0x50, $0x38;
	[tilespmem:$0x1E100] =	vst v63  }
.Ltmp3:
0x59: {  	_ = 	snop;
	(pc) =	sbr.rel .LBB2_4-.Ltmp3, $4  }
0x5a: {  	_ = 	snop  }
0x5b: {  	[tilespmem:s23], [sflag:$0x2] =	stream.indirect.gather [hbm4b:s2+s11], $0x80, s11, s11, $0xb8;
	[tilespmem:$0x1E100] =	vst v63  }
0x5c: {  	s19 =	smov.u32 s12;
	s14 =	rddreg [dreg:$0xc]  }
0x5d: {  	[tilespmem:s24], [sflag:$0x5] =	stream.linear.gather [hbm4b:s14+s10], $0x50, $0x38;
	[tilespmem:$0x1E100] =	vst v63  }
.LBB2_8:
0x5e: {  	p0 =	seq.s32 s10, $0x0  }
0x5f: {  	_ =	swait.ge [sflag:s25], $0x2800;
	p1 =	seq.s32 @!p0 s10, $0x7C  }
0x60: {  	[sflag:s25] =	ssyncset.done $0x0;
	p0 =	por p1, p0  }
0x61: {  	[sflag:s25] =	ssyncadd.s32 $0xFFFFD800;
	s14 =	simm.s32 @!p0 $0x50;
	s15 =	simm.s32 @!p0 $0x2900  }
0x62: {  	[tilespmem:s15], [sflag:$0x1] =	stream.indirect.gather @!p0 [hbm4b:s2+s14], $0x80, s11, s14, $0xb8;
	[tilespmem:$0x1E100] =	vst v63  }
0x63: {  	s14 =	sshrl.u32 @!p0 s19, $0x3  }
0x64: {  	s16 =	simm.s32 @!p0 $0x2780;
	s15 =	simm.s32 @!p0 $0x0;
	s14 =	sadd.s32 @!p0 s5, s14  }
0x65: {  	[tilespmem:s16], [sflag:$0x4] =	stream.linear.gather @!p0 [hbm4b:s14+s15], $0x50, $0x38;
	[tilespmem:$0x1E100] =	vst v63  }
0x66: {  	_ =	swait.ge [sflag:s26], $0x2800  }
0x67: {  	[sflag:s26] =	ssyncset.done $0x0  }
0x68: {  	[sflag:s26] =	ssyncadd.s32 $0xFFFFD800  }
0x69: {  	_ =	swait.ge [sflag:s28], $0x50  }
0x6a: {  	[sflag:s28] =	ssyncset.done $0x0  }
0x6b: {  	[sflag:s28] =	ssyncadd.s32 $0xFFFFFFB0  }
0x6c: {  	[spmem:s3] =	stream.indirect.scatter.add.f32 [tilespmem:s31], [sflag:$0x9], $0x80, s30, s29, $0xb8;
	[tilespmem:$0x1E100] =	vst v63  }
.LBB2_9:
0x6d: {  	s10 =	sadd.s32 $0x1, s10  }
0x6e: {  	p0 =	sne.s32 s10, $0x7D  }
.Ltmp4:
0x6f: {  	_ = 	snop;
	(pc) =	sbr.rel @!p0 .LBB2_10-.Ltmp4, $2  }
0x70: {  	_ =	sdelay $0x2  }
0x71: {  	s19 =	sadd.s32 $0x50, s19;
	s11 =	sadd.s32 $0x50, s11  }
.LBB2_4:
0x72: {  	s14 =	smul.u32 $0xAB, s10;
	_ =	sdelay $0x1  }
0x73: {  	s14 =	sshrl.u32 s14, $0x9  }
0x74: {  	s14 =	sand.u32 $0x7F, s14  }
0x75: {  	s14 =	smul.u32 $0x3, s14;
	_ =	sdelay $0x1  }
0x76: {  	s14 =	ssub.s32 s10, s14  }
0x77: {  	s14 =	sand.u32 $0xFF, s14  }
0x78: {  	p0 =	seq.s32 s14, $0x2  }
.Ltmp5:
0x79: {  	_ = 	snop;
	(pc) =	sbr.rel @p0 .LBB2_8-.Ltmp5, $1  }
0x7a: {  	_ =	sdelay $0x3  }
0x7b: {  	p0 =	seq.s32 s14, $0x1  }
.Ltmp6:
0x7c: {  	_ = 	snop;
	(pc) =	sbr.rel @!p0 .LBB2_6-.Ltmp6, $1  }
0x7d: {  	_ =	sdelay $0x3  }
0x7e: {  	p0 =	slt.u32 s10, $0x2  }
0x7f: {  	p1 =	seq.s32 s10, $0x0;
	s14 =	simm.s32 @!p0 $0x9  }
0x80: {  	p2 =	seq.s32 @!p1 s10, $0x7C;
	_ =	swait.ge @!p0 [sflag:s14], $0x2800  }
0x81: {  	p1 =	por p2, p1;
	[sflag:s14] =	ssyncset.done @!p0 $0x0  }
0x82: {  	s15 =	simm.s32 @!p1 $0x7900;
	[sflag:s14] =	ssyncadd.s32 @!p0 $0xFFFFD800;
	s14 =	simm.s32 @!p1 $0x50  }
0x83: {  	[tilespmem:s15], [sflag:$0x3] =	stream.indirect.gather @!p1 [hbm4b:s2+s14], $0x80, s11, s14, $0xb8;
	[tilespmem:$0x1E100] =	vst v63  }
0x84: {  	s14 =	sshrl.u32 @!p1 s19, $0x3  }
0x85: {  	s16 =	simm.s32 @!p1 $0x2880;
	s15 =	simm.s32 @!p1 $0x0;
	s14 =	sadd.s32 @!p1 s5, s14  }
0x86: {  	[tilespmem:s16], [sflag:$0x6] =	stream.linear.gather @!p1 [hbm4b:s14+s15], $0x50, $0x38;
	[tilespmem:$0x1E100] =	vst v63  }
0x87: {  	_ =	swait.ge [sflag:s0], $0x2800  }
0x88: {  	[sflag:s0] =	ssyncset.done $0x0  }
.Ltmp7:
0x89: {  	[sflag:s0] =	ssyncadd.s32 $0xFFFFD800;
	(pc) =	sbr.rel .LBB2_9-.Ltmp7, $4  }
0x8a: {  	_ =	swait.ge [sflag:s4], $0x50  }
0x8b: {  	[sflag:s4] =	ssyncset.done $0x0  }
0x8c: {  	[sflag:s4] =	ssyncadd.s32 $0xFFFFFFB0  }
0x8d: {  	[spmem:s3] =	stream.indirect.scatter.add.f32 [tilespmem:s23], [sflag:$0x8], $0x80, s24, s29, $0xb8;
	[tilespmem:$0x1E100] =	vst v63  }
.LBB2_6:
0x8e: {  	p0 =	slt.u32 s10, $0x2  }
0x8f: {  	p1 =	seq.s32 s10, $0x0;
	s14 =	simm.s32 @!p0 $0x8  }
0x90: {  	p2 =	seq.s32 @!p1 s10, $0x7C;
	_ =	swait.ge @!p0 [sflag:s14], $0x2800  }
0x91: {  	p1 =	por p2, p1;
	[sflag:s14] =	ssyncset.done @!p0 $0x0  }
0x92: {  	s15 =	simm.s32 @!p1 $0x5100;
	[sflag:s14] =	ssyncadd.s32 @!p0 $0xFFFFD800;
	s14 =	simm.s32 @!p1 $0x50  }
0x93: {  	[tilespmem:s15], [sflag:$0x2] =	stream.indirect.gather @!p1 [hbm4b:s2+s14], $0x80, s11, s14, $0xb8;
	[tilespmem:$0x1E100] =	vst v63  }
0x94: {  	s14 =	sshrl.u32 @!p1 s19, $0x3  }
0x95: {  	s16 =	simm.s32 @!p1 $0x2800;
	s15 =	simm.s32 @!p1 $0x0;
	s14 =	sadd.s32 @!p1 s5, s14  }
0x96: {  	[tilespmem:s16], [sflag:$0x5] =	stream.linear.gather @!p1 [hbm4b:s14+s15], $0x50, $0x38;
	[tilespmem:$0x1E100] =	vst v63  }
0x97: {  	_ =	swait.ge [sflag:s7], $0x2800  }
0x98: {  	[sflag:s7] =	ssyncset.done $0x0  }
.Ltmp8:
0x99: {  	[sflag:s7] =	ssyncadd.s32 $0xFFFFD800;
	(pc) =	sbr.rel .LBB2_9-.Ltmp8, $4  }
0x9a: {  	_ =	swait.ge [sflag:s8], $0x50  }
0x9b: {  	[sflag:s8] =	ssyncset.done $0x0  }
0x9c: {  	[sflag:s8] =	ssyncadd.s32 $0xFFFFFFB0  }
0x9d: {  	[spmem:s3] =	stream.indirect.scatter.add.f32 [tilespmem:s20], [sflag:$0x7], $0x80, s22, s29, $0xb8;
	[tilespmem:$0x1E100] =	vst v63  }
.LBB2_11:
0x9e: {  	_ =	sfence.sel $0x180000  }
0x9f: {  	[bflag:$0x0] =	sbarrier.arrive $0xFFFF  }
0xa0: {  	_ =	strace $0x9000004A  }
0xa1: {  	s0 =	stileid.u32;
	[bflag:$0x2] =	sbarrier.arrive $0xFFFF  }
0xa2: {  	p0 =	sne.s32 s0, $0x0;
	s0 =	rddreg [dreg:$0x3]  }
0xa3: {  	s0 =	sadd.s32 @!p0 $0x100000, s0  }
0xa4: {  	[sflag:s0] =	ssyncadd.tile.s32 @!p0 $0x1;
	_ =	shalt  }
.Lfunc_end2:
_tile_overlayer_lowered:
.L_overlay_start_2:
0xa5: {  	(tag) =	ssettag $0x2  }
0xa6: {  	s0 =	rddreg [dreg:$0x0];
	s2 =	stileid.u32  }
0xa7: {  	s1 =	rddreg [dreg:$0x1];
	p0 =	sne.s32 s2, $0x0  }
0xa8: {  	s3 =	rddreg [dreg:$0x2];
	[bflag:$0x3] =	sbarrier.arrive $0xFFFF;
	s2 =	simm.s32 @!p0 $0x1C0A  }
0xa9: {  	[timem:s3], [sflag:s2] =	dma.local @!p0 [hbm:s0], s1  }
0xaa: {  	s0 =	simm.s32 @!p0 $0xA  }
0xab: {  	_ =	swait.ge @!p0 [sflag:s0], s1  }
0xac: {  	s1 =	ssub.s32 @!p0 $0x0, s1;
	[sflag:s0] =	ssyncset.done @!p0 $0x0  }
0xad: {  	[sflag:s0] =	ssyncadd.s32 @!p0 s1  }
0xae: {  	[bflag:$0x3] =	sbarrier.arrive $0xFFFF  }
0xaf: {  	_ =	shalt  }

// kernel: kernel.7.cloned.1.call-start
scs
__scs_entry_jumppad:
0x0: {  	(pc) =	sbr.rel $0x88, $3  }
0x1: {  	(tag) =	ssettag $0x0;
	lr =	simm.s32 $0x1  }
0x2: {  	[smem:$0x3F99] =	sst lr;
	_ =	strace $0xD0000000  }
0x3: {  	_ = 	snop  }
0x4: {  	_ = 	snop  }
0x5: {  	_ = 	snop  }
0x6: {  	_ = 	snop  }
0x7: {  	_ = 	snop  }
__scs_overlays_trampoline_lowered:
0x8: {  	[smem:$0x3FA8] =	sst s0  }
0x9: {  	[smem:$0x3FA9] =	sst s1  }
0xa: {  	[smem:$0x3FAA] =	sst s2  }
0xb: {  	[smem:$0x3FAB] =	sst s3  }
0xc: {  	[smem:$0x3FAC] =	sst s4  }
0xd: {  	[smem:$0x3FAD] =	sst s5  }
0xe: {  	[smem:$0x3FAE] =	sst s6  }
0xf: {  	[smem:$0x3FAF] =	sst s7  }
0x10: {  	[smem:$0x3FB0] =	sst s8  }
0x11: {  	[smem:$0x3FB1] =	sst s9;
	s0 =	simm.s32 @!p0 $0x0  }
0x12: {  	s1 =	sld [smem:$0x3F97];
	s0 =	simm.s32 @p0 $0x1  }
0x13: {  	[smem:$0x3FB2] =	sst s0;
	s0 =	simm.s32 @!p1 $0x0  }
0x14: {  	s2 =	sld [smem:$0x3F96];
	s0 =	simm.s32 @p1 $0x1  }
0x15: {  	[smem:$0x3FB3] =	sst s0;
	s0 =	simm.s32 @!p2 $0x0  }
0x16: {  	s3 =	sld [smem:$0x3FDB];
	s0 =	simm.s32 @p2 $0x1  }
0x17: {  	s4 =	simm.s32 $0x1BF5;
	[smem:$0x3FB5] =	sst s0  }
0x18: {  	s0 =	sld [smem:$0x3F98];
	_ =	swait.ge [sflag:s4], $0x0  }
0x19: {  	s7 =	sld [smem:$0x3F99]  }
0x1a: {  	s8 =	sadd.s32 $0xFFFFE003, lr  }
0x1b: {  	s9 =	sadd.s32 $0xFFFFFEF7, lr;
	s5 =	simm.s32 $0xFFFFFFFF;
	p2 =	slt.u32 s8, $0xFFFFF086  }
0x1c: {  	p1 =	slt.u32 s9, $0xF7A;
	s5 =	simm.s32 @!p2 $0x0  }
0x1d: {  	s5 =	simm.s32 @p1 $0x1;
	p0 =	seq.s32 s7, s2  }
0x1e: {  	s7 =	smul.u32 @!p0 $0xF7A, s2;
	p2 =	seq.s32 @!p0 s5, $0x0  }
0x1f: {  	s9 =	smul.u32 $0xF7A, s1;
	s8 =	simm.s32 @!p0 $0x1BF5;
	p2 =	por !p2, p0  }
0x20: {  	[sflag:s8] =	ssyncset.s32 @!p0 $0xFFFFF086;
	s6 =	sadd.s32 @!p0 s3, s7;
	s7 =	simm.s32 @!p0 $0x108  }
0x21: {  	s3 =	sadd.s32 s3, s9;
	s6 =	sadd.s32 @!p0 $0x88, s6;
	s7 =	simm.s32 @p2 $0x1082  }
0x22: {  	[simem:s7], [sflag:s8] =	dma.local @!p0 [hbm:s6], $0xF7A  }
0x23: {  	s9 =	sor.u32 $0xD0000000, s2;
	s6 =	simm.s32 $0x108;
	_ =	swait.ge @!p0 [sflag:s8], $0x0  }
0x24: {  	s3 =	sadd.s32 $0x88, s3;
	s6 =	simm.s32 @!p1 $0x1082;
	[sflag:s4] =	ssyncset.s32 $0xFFFFF086  }
0x25: {  	[simem:s6], [sflag:s4] =	dma.local [hbm:s3], $0xF7A  }
0x26: {  	[smem:$0x3F99] =	sst s1;
	(tag) =	ssettag s2;
	_ =	strace s9  }
0x27: {  	s1 =	sld [smem:$0x3FA9]  }
0x28: {  	s2 =	sld [smem:$0x3FAA]  }
0x29: {  	s4 =	sld [smem:$0x3FAC]  }
0x2a: {  	p0 =	seq.s32 s5, $0x0;
	s5 =	sld [smem:$0x3FAD]  }
0x2b: {  	s6 =	sld [smem:$0x3FAE]  }
0x2c: {  	s7 =	sld [smem:$0x3FAF]  }
0x2d: {  	s3 =	simm.s32 $0x108;
	s8 =	sld [smem:$0x3FB0]  }
0x2e: {  	s3 =	simm.s32 @!p0 $0x1082;
	s9 =	sld [smem:$0x3FB1]  }
0x2f: {  	lr =	sadd.s32 s0, s3;
	s0 =	sld [smem:$0x3FA8]  }
0x30: {  	s3 =	sld [smem:$0x3FAB]  }
0x31: {  	[smem:$0x3FB4] =	sst s10  }
0x32: {  	s10 =	sld [smem:$0x3FB2];
	_ =	sdelay $0x3  }
0x33: {  	p0 =	seq.s32 s10, $0x1;
	s10 =	sld [smem:$0x3FB4];
	_ =	sdelay $0x3  }
0x34: {  	[smem:$0x3FB4] =	sst s10  }
0x35: {  	s10 =	sld [smem:$0x3FB3];
	_ =	sdelay $0x3  }
0x36: {  	p1 =	seq.s32 s10, $0x1;
	s10 =	sld [smem:$0x3FB4];
	_ =	sdelay $0x3  }
0x37: {  	[smem:$0x3FB4] =	sst s10  }
0x38: {  	s10 =	sld [smem:$0x3FB5]  }
0x39: {  	_ = 	snop;
	(pc) =	sbr.ind lr, $3  }
0x3a: {  	_ = 	snop  }
0x3b: {  	_ = 	snop  }
0x3c: {  	p2 =	seq.s32 s10, $0x1;
	s10 =	sld [smem:$0x3FB4]  }
0x3d: {  	_ =	shalt  }
0x3e: {  	_ =	shalt  }
0x3f: {  	_ =	shalt  }
0x40: {  	_ =	shalt  }
0x41: {  	_ =	shalt  }
0x42: {  	_ =	shalt  }
0x43: {  	_ =	shalt  }
0x44: {  	_ =	shalt  }
0x45: {  	_ =	shalt  }
0x46: {  	_ =	shalt  }
0x47: {  	_ =	shalt  }
0x48: {  	_ =	shalt  }
0x49: {  	_ =	shalt  }
0x4a: {  	_ =	shalt  }
0x4b: {  	_ =	shalt  }
0x4c: {  	_ =	shalt  }
0x4d: {  	_ =	shalt  }
0x4e: {  	_ =	shalt  }
0x4f: {  	_ =	shalt  }
0x50: {  	_ =	shalt  }
0x51: {  	_ =	shalt  }
0x52: {  	_ =	shalt  }
0x53: {  	_ =	shalt  }
0x54: {  	_ =	shalt  }
0x55: {  	_ =	shalt  }
0x56: {  	_ =	shalt  }
0x57: {  	_ =	shalt  }
0x58: {  	_ =	shalt  }
0x59: {  	_ =	shalt  }
0x5a: {  	_ =	shalt  }
0x5b: {  	_ =	shalt  }
0x5c: {  	_ =	shalt  }
0x5d: {  	_ =	shalt  }
0x5e: {  	_ =	shalt  }
0x5f: {  	_ =	shalt  }
0x60: {  	_ =	shalt  }
0x61: {  	_ =	shalt  }
0x62: {  	_ =	shalt  }
0x63: {  	_ =	shalt  }
0x64: {  	_ =	shalt  }
0x65: {  	_ =	shalt  }
0x66: {  	_ =	shalt  }
0x67: {  	_ =	shalt  }
0x68: {  	_ =	shalt  }
0x69: {  	_ =	shalt  }
0x6a: {  	_ =	shalt  }
0x6b: {  	_ =	shalt  }
0x6c: {  	_ =	shalt  }
0x6d: {  	_ =	shalt  }
0x6e: {  	_ =	shalt  }
0x6f: {  	_ =	shalt  }
0x70: {  	_ =	shalt  }
0x71: {  	_ =	shalt  }
0x72: {  	_ =	shalt  }
0x73: {  	_ =	shalt  }
0x74: {  	_ =	shalt  }
0x75: {  	_ =	shalt  }
0x76: {  	_ =	shalt  }
0x77: {  	_ =	shalt  }
0x78: {  	_ =	shalt  }
0x79: {  	_ =	shalt  }
0x7a: {  	_ =	shalt  }
0x7b: {  	_ =	shalt  }
0x7c: {  	_ =	shalt  }
0x7d: {  	_ =	shalt  }
0x7e: {  	_ =	shalt  }
0x7f: {  	_ =	shalt  }
0x80: {  	_ =	shalt  }
0x81: {  	_ =	shalt  }
0x82: {  	_ =	shalt  }
0x83: {  	_ =	shalt  }
0x84: {  	_ =	shalt  }
0x85: {  	_ =	shalt  }
0x86: {  	_ =	shalt  }
0x87: {  	_ =	shalt  }
.Lfunc_end0:
.L_simem_size_0:
called_computation_lowered:
.L_overlay_start_0:
0x88: {  	s2 =	sld [smem:$0x3FD9]  }
0x89: {  	s3 =	sld [smem:$0x3FFE];
	_ =	sdelay $0x1  }
0x8a: {  	s1 =	srdreg.scid  }
0x8b: {  	s0 =	sand.u32 $0x1, s1  }
0x8c: {  	s14 =	sshll.u32 s0, $0xA;
	s2 =	sadd.s32 s3, s2  }
0x8d: {  	s2 =	sadd.s32 s2, s14  }
0x8e: {  	[smem:$0x3FC0] =	sst s2  }
0x8f: {  	_ = 	snop  }
0x90: {  	s2 =	sld [smem:$0x3FD0];
	_ =	sdelay $0x2  }
0x91: {  	s15 =	simm.s32 $0xA;
	s4 =	simm.s32 $0x10  }
0x92: {  	[smem:s4], [sflag:s15] =	dma.local [hbm:s2], $0x1  }
0x93: {  	_ =	swait.eq [sflag:s15], $0x1  }
0x94: {  	[sflag:s15] =	ssyncset.done $0x0  }
0x95: {  	[sflag:s15] =	ssyncadd.s32 $0xFFFFFFFF  }
0x96: {  	s16 =	sld [smem:$0x11];
	(tm) =	ssettm $0x1  }
0x97: {  	s17 =	sld [smem:$0x3FFB];
	_ =	sdelay $0x3  }
0x98: {  	_ =	strace s17  }
0x99: {  	s3 =	sld [smem:$0x3FFC];
	_ =	sdelay $0x3  }
0x9a: {  	_ =	strace s3  }
0x9b: {  	s3 =	sld [smem:$0x3FFD];
	_ =	sdelay $0x3  }
0x9c: {  	_ =	strace s3  }
0x9d: {  	_ =	strace $0x8FFFFFFF  }
0x9e: {  	s18 =	sld [smem:$0x3FDB];
	_ =	sdelay $0x1  }
0x9f: {  	s19 =	simm.s32 $_scs_section_size  }
0xa0: {  	s5 =	simm.s32 $_size__tile_overlayer_lowered;
	s6 =	simm.s32 $_tile_overlayer_lowered  }
0xa1: {  	s22 =	simm.s32 $0x1BFF;
	s21 =	sshll.u32 s6, $0x1;
	s3 =	sadd.s32 s19, s18  }
0xa2: {  	s7 =	simm.s32 $0x0;
	s20 =	sshll.u32 s5, $0x1;
	s5 =	sadd.s32 s21, s3  }
0xa3: {  	[timem:s7], [sflag:s22] =	dma.local [hbm:s5], s20  }
0xa4: {  	_ =	swait.ge [sflag:s22], s20  }
0xa5: {  	s4 =	ssub.s32 $0x0, s20;
	[sflag:s22] =	ssyncset.done $0x0  }
0xa6: {  	[sflag:s22] =	ssyncadd.s32 s4;
	_ =	sdelay $0x1  }
0xa7: {  	s23 =	simm.s32 $0x1B8B  }
0xa8: {  	_ =	swait.ge [sflag:s23], $0x1  }
0xa9: {  	[sflag:s23] =	ssyncset.done $0x0  }
0xaa: {  	s25 =	simm.s32 $0x1B8E;
	s24 =	sld [smem:$0x3FFE];
	[sflag:s23] =	ssyncadd.s32 $0xFFFFFFFF  }
0xab: {  	s26 =	simm.s32 $execute0_lowered;
	[smem:$0x3FD2] =	sst s25  }
0xac: {  	s5 =	sshll.u32 s26, $0x1;
	_ =	strace $0x80000046;
	[dreg:$0x1] =	wrdreg $0xFFFFFFFF  }
0xad: {  	s28 =	simm.s32 $_size_execute0_lowered;
	s3 =	sadd.s32 s3, s5;
	[dreg:$0x0] =	wrdreg $0x0  }
0xae: {  	s5 =	sshll.u32 s28, $0x1;
	[dreg:$0x2] =	wrdreg s3  }
0xaf: {  	[dreg:$0x3] =	wrdreg s5  }
0xb0: {  	[dreg:$0x4] =	wrdreg $0xC0  }
0xb1: {  	_ =	task [dreg:s7], $0x5FFFF  }
0xb2: {  	[dreg:$0x1] =	wrdreg $0xFFFFFFFF  }
0xb3: {  	[dreg:$0x0] =	wrdreg $0x60  }
0xb4: {  	[dreg:$0x2] =	wrdreg s24  }
0xb5: {  	[dreg:$0x3] =	wrdreg s16  }
0xb6: {  	[dreg:$0x4] =	wrdreg $0x9  }
0xb7: {  	_ =	task.clear_ibuf [dreg:s7], $0x5FFFF;
	_ =	strace $0x90000046  }
0xb8: {  	s29 =	simm.s32 $0x9;
	_ =	strace $0x80000048  }
0xb9: {  	_ =	swait.ge [sflag:s29], $0x1  }
0xba: {  	[sflag:s29] =	ssyncadd.s32 $0xFFFFFFFF  }
0xbb: {  	_ =	strace $0x90000048  }
0xbc: {  	_ =	sfence  }
0xbd: {  	s30 =	sld [smem:$0x0];
	_ =	sdelay $0x2  }
0xbe: {  	s31 =	sshll.u32 s1, $0xD;
	s1 =	sshrl.u32 s1, $0x2  }
0xbf: {  	s3 =	sand.u32 $0x4000, s31;
	s1 =	sadd.s32 s1, s30  }
0xc0: {  	s0 =	sor.u32 s3, s0;
	s1 =	sshll.u32 s1, $0x11  }
0xc1: {  	s0 =	sor.u32 s1, s0  }
0xc2: {  	s0 =	sadd.s32 $0x8F2B, s0  }
0xc3: {  	[sflag:s0] =	ssyncadd.remote.s32 $0x1  }
0xc4: {  	_ =	sfence.sel $0xFFFF  }
0xc5: {  	[dreg:$0x0] =	wrdreg $0xFFFFFFFF;
	(pc) =	sbr.abs _section_cstart, $3  }
0xc6: {  	[dreg:$0x1] =	wrdreg $0xFFFFFFFF  }
0xc7: {  	_ =	task.clear_ibuf [dreg:s7], $0x2FFFF;
	_ =	strace $0x9FFFFFFF  }
0xc8: {  	(tm) =	ssettm $0x7FFFFFFF  }
0xc9: {  	_ =	shalt  }
tec
execute0_lowered:
.L_overlay_start_1:
0x0: {  	(tag) =	ssettag $0x1  }
0x1: {  	s0 =	srdreg.scid;
	s3 =	rddreg [dreg:$0x0]  }
0x2: {  	s5 =	rddreg [dreg:$0x1];
	s4 =	sand.u32 $0x1, s0  }
0x3: {  	s1 =	stileid.u32;
	s8 =	simm.s32 $0x0;
	s2 =	sshll.u32 s4, $0x4  }
0x4: {  	s4 =	ssub.s32 $0x2, s4;
	s6 =	sor.u32 s1, s2;
	s2 =	simm.s32 $0x0  }
0x5: {  	s7 =	sshrl.u32 s4, $0x1;
	s6 =	smul.u32 $0x4E2, s6;
	[smem:$0x7FF] =	sst s2  }
0x6: {  	s0 =	rddreg [dreg:$0x2];
	s7 =	ssub.s32 s4, s7;
	_ =	strace $0x80000047  }
0x7: {  	s3 =	sadd.s32 s6, s3;
	s4 =	sadd.s32 s5, s6;
	s5 =	smax.u32 s7, $0x1  }
0x8: {  	v0 =	vimm.f32 $0.0e+00;
	v1 =	vimm.f32 $1.000000000e+00;
	s6 =	simm.s32 $0x1;
	s7 =	simm.s32 $0x2780;
	s3 =	sadd.s32 $0x2200, s3  }
.LBB2_1:
0x9: {  	[tilespmem:s2], [sflag:$0x1] =	stream.linear.gather [hbm4b:s3+s2], $0x2710, $0x38;
	[tilespmem:$0x4F00] =	vst v63  }
0xa: {  	_ =	swait.ge [sflag:s6], $0x2710  }
0xb: {  	[sflag:s6] =	ssyncset.done $0x0  }
0xc: {  	s9 =	simm.s32 $0x0;
	[sflag:s6] =	ssyncadd.s32 $0xFFFFD8F0  }
.LBB2_2:
0xd: {  	p0 =	sne.s32 s9, $0x9C00  }
.Ltmp0:
0xe: {  	_ = 	snop;
	(pc) =	sbr.rel @p0 .LBB2_2-.Ltmp0, $3  }
0xf: {  	_ =	sdelay $0x1  }
0x10: {  	s10 =	sshra.s32 s9, $0x2  }
0x11: {  	s9 =	sadd.s32 $0x40, s9;
	[tilespmem:s10+$0x2780] =	vst v0  }
0x12: {  	s10 =	simm.s32 $0x0;
	s9 =	simm.s32 $0x40  }
.LBB2_4:
0x13: {  	p0 =	sne.s32 s9, $0x9C00;
	v2 =	vld [tilespmem:s10+$0x0];
	_ =	sdelay $0x3  }
.Ltmp1:
0x14: {  	(pc) =	sbr.rel @p0 .LBB2_4-.Ltmp1, $2  }
0x15: {  	_ =	sdelay $0x2  }
0x16: {  	s10 =	sshra.s32 s9, $0x2;
	s9 =	sadd.s32 $0x40, s9;
	[tilespmem:v2+s7+$0x0] =	vst.idx.add.f32.msk $0xffff, v1  }
0x17: {  	v2 =	vld [tilespmem:s10+$0x0];
	_ =	sdelay $0x5  }
0x18: {  	s8 =	sadd.s32 $0x1, s8  }
0x19: {  	p0 =	sne.s32 s8, s5  }
.Ltmp2:
0x1a: {  	[tilespmem:v2+s7+$0x0] =	vst.idx.add.f32.msk $0xffff, v1;
	(pc) =	sbr.rel @p0 .LBB2_1-.Ltmp2, $4  }
0x1b: {  	[hbm4b:s4+s2] =	stream.linear.scatter [tilespmem:s7], [sflag:$0x1], $0x2710, $0x38;
	[tilespmem:$0x4F00] =	vst v63  }
0x1c: {  	_ =	swait.ge [sflag:s6], $0x2710  }
0x1d: {  	[sflag:s6] =	ssyncset.done $0x0  }
0x1e: {  	[sflag:s6] =	ssyncadd.s32 $0xFFFFD8F0  }
0x1f: {  	_ =	sfence.sel $0x180000  }
0x20: {  	[bflag:$0x0] =	sbarrier.arrive $0xFFFF  }
0x21: {  	p0 =	sne.s32 s1, $0x0;
	_ =	strace $0x90000047  }
0x22: {  	s0 =	sadd.s32 @!p0 $0x100000, s0;
	[bflag:$0x2] =	sbarrier.arrive $0xFFFF  }
0x23: {  	[sflag:s0] =	ssyncadd.tile.s32 @!p0 $0x1;
	_ =	shalt  }
.Lfunc_end2:
_tile_overlayer_lowered:
.L_overlay_start_2:
0x24: {  	(tag) =	ssettag $0x2  }
0x25: {  	s0 =	rddreg [dreg:$0x0];
	s2 =	stileid.u32  }
0x26: {  	s1 =	rddreg [dreg:$0x1];
	p0 =	sne.s32 s2, $0x0  }
0x27: {  	s3 =	rddreg [dreg:$0x2];
	[bflag:$0x3] =	sbarrier.arrive $0xFFFF;
	s2 =	simm.s32 @!p0 $0x1C01  }
0x28: {  	[timem:s3], [sflag:s2] =	dma.local @!p0 [hbm:s0], s1  }
0x29: {  	s0 =	simm.s32 @!p0 $0x1  }
0x2a: {  	_ =	swait.ge @!p0 [sflag:s0], s1  }
0x2b: {  	s1 =	ssub.s32 @!p0 $0x0, s1;
	[sflag:s0] =	ssyncset.done @!p0 $0x0  }
0x2c: {  	[sflag:s0] =	ssyncadd.s32 @!p0 s1  }
0x2d: {  	[bflag:$0x3] =	sbarrier.arrive $0xFFFF  }
0x2e: {  	_ =	shalt  }

</sc_bundles>
